<compile_context>
chip_gen: v7x
topology: tpu7x:2x2x1
jax: 0.10.2.dev20260603
libtpu: 0.0.44.dev20260713+nightly
codegen_flags: <defaults>
</compile_context>

<pallas_src>
import dataclasses
import functools

import jax
import jax.numpy as jnp
from jax import lax
from jax.experimental import pallas as pl
from jax.experimental.pallas import tpu as pltpu
from jax.experimental.pallas import tpu_sc as plsc

N = 10000
DIN = 128
E = 320000
NC = 2
NS = 16
L = 16
DH = DIN // NC
K = 128
NBUF = 4
R = 10240
RPT = R // NS
XPT = N // NS
EPT = E // NS
NCHUNK = EPT // K
KT = EPT - NCHUNK * K
HR = 80
HPT = HR // NS

_CP = pltpu.CompilerParams(use_tc_tiling_on_sc=False)
if "needs_layout_passes" in pltpu.CompilerParams.__dataclass_fields__:
    _CP = dataclasses.replace(_CP, needs_layout_passes=False)


def _sc_aggregate(x, edges, zeros_tile):
    mesh = plsc.VectorSubcoreMesh(core_axis_name="c", subcore_axis_name="s")

    @functools.partial(
        pl.kernel,
        mesh=mesh,
        compiler_params=_CP,
        out_type=[jax.ShapeDtypeStruct((R, DIN), jnp.float32),
                  jax.ShapeDtypeStruct((NC, HR, 128), jnp.float32),
                  jax.ShapeDtypeStruct((NC, N, DH), jnp.float32)],
        scratch_types=[
            pltpu.VMEM((EPT,), jnp.int32),
            pltpu.VMEM((EPT,), jnp.int32),
            *[pltpu.VMEM((K, DH), jnp.float32) for _ in range(NBUF)],
            pltpu.VMEM((HR, 128), jnp.float32),
            pltpu.VMEM((HR,), jnp.int32),
            pltpu.VMEM_SHARED((R, DH), jnp.float32),
            pltpu.VMEM_SHARED((HR, 128), jnp.float32),
            *[pltpu.SemaphoreType.DMA for _ in range(2 * NBUF)],
        ],
    )
    def body(x_hbm, e_hbm, z_hbm, outa_hbm, outd_hbm, xh_hbm,
             sidx, didx, *bufs):
        rows = bufs[:NBUF]
        hist = bufs[NBUF]
        iota_v = bufs[NBUF + 1]
        agg = bufs[NBUF + 2]
        sdeg = bufs[NBUF + 3]
        gsem = bufs[NBUF + 4:NBUF + 4 + NBUF]
        ssem = bufs[NBUF + 4 + NBUF:]
        c = lax.axis_index("c")
        s = lax.axis_index("s")
        xh = xh_hbm.at[c]
        ones16 = jnp.ones((L,), jnp.float32)
        zeros16 = jnp.zeros((L,), jnp.float32)
        iota16 = lax.broadcasted_iota(jnp.int32, (L,), 0)

        base = s * XPT
        nq = XPT // K
        tail = XPT - nq * K

        def spl_src(q, n):
            return x_hbm.at[pl.ds(base + q * K, n), pl.ds(c * DH, DH)]

        pltpu.async_copy(spl_src(0, K), rows[0], gsem[0])
        pltpu.async_copy(spl_src(1, K), rows[1], gsem[1])
        cp0 = pltpu.async_copy(e_hbm.at[0, pl.ds(s * EPT, EPT)], sidx, ssem[0])
        cp1 = pltpu.async_copy(e_hbm.at[1, pl.ds(s * EPT, EPT)], didx, ssem[1])
        cp2 = pltpu.async_copy(z_hbm, agg.at[pl.ds(s * RPT, RPT)], ssem[2])

        @pl.loop(0, HR)
        def _(r):
            for v in range(8):
                hist[r, pl.ds(v * L, L)] = zeros16

        for q in range(HR // L):
            iota_v[pl.ds(q * L, L)] = iota16 + (q * L)

        for q in range(nq):
            b = q % 2
            pltpu.make_async_copy(spl_src(0, K), rows[b], gsem[b]).wait()
            pltpu.sync_copy(rows[b], xh.at[pl.ds(base + q * K, K)])
            if q + 2 < nq:
                pltpu.async_copy(spl_src(q + 2, K), rows[b], gsem[b])
        if tail:
            pltpu.sync_copy(spl_src(nq, tail), rows[0].at[pl.ds(0, tail)])
            pltpu.sync_copy(rows[0].at[pl.ds(0, tail)],
                            xh.at[pl.ds(base + nq * K, tail)])
        cp0.wait()
        cp1.wait()
        cp2.wait()

        @pl.when(s == 0)
        def _():
            pltpu.sync_copy(hist, sdeg)
        plsc.subcore_barrier()

        def hist_span(off, nvec):
            for v in range(nvec):
                idx = didx[pl.ds(off + v * L, L)]
                plsc.addupdate_scatter(hist, [idx >> 7, idx & 127], ones16)

        for b in range(NBUF):
            pltpu.async_copy(xh.at[sidx.at[pl.ds(b * K, K)]], rows[b], gsem[b])

        @pl.loop(0, NCHUNK, step=NBUF)
        def _(j):
            for b in range(NBUF):
                pltpu.make_async_copy(xh.at[sidx.at[pl.ds(0, K)]], rows[b],
                                      gsem[b]).wait()
                pltpu.async_copy(rows[b], agg.at[didx.at[pl.ds((j + b) * K, K)]],
                                 ssem[b], add=True)
            for b in range(NBUF):
                hist_span((j + b) * K, K // L)
            for b in range(NBUF):
                pltpu.make_async_copy(rows[b], agg.at[didx.at[pl.ds(0, K)]],
                                      ssem[b]).wait()

                @pl.when(j + NBUF + b < NCHUNK)
                def _():
                    pltpu.async_copy(
                        xh.at[sidx.at[pl.ds((j + NBUF + b) * K, K)]], rows[b],
                        gsem[b])

        if KT:
            toff = NCHUNK * K
            pltpu.async_copy(xh.at[sidx.at[pl.ds(toff, KT)]],
                             rows[0].at[pl.ds(0, KT)], gsem[0]).wait()
            pltpu.sync_copy(rows[0].at[pl.ds(0, KT)],
                            agg.at[didx.at[pl.ds(toff, KT)]], add=True)
            hist_span(toff, KT // L)

        plsc.subcore_barrier()
        pltpu.sync_copy(hist, sdeg.at[iota_v], add=True)
        plsc.subcore_barrier()
        pltpu.sync_copy(agg.at[pl.ds(s * RPT, RPT)],
                        outa_hbm.at[pl.ds(s * RPT, RPT), pl.ds(c * DH, DH)])
        pltpu.sync_copy(sdeg.at[pl.ds(s * HPT, HPT)],
                        outd_hbm.at[c, pl.ds(s * HPT, HPT)])

    return body(x, edges, zeros_tile)


def _tc_root(x, wrT, bias):
    BR = 1024
    nblk = (N + BR - 1) // BR

    def body(x_ref, wr_ref, b_ref, o_ref):
        o_ref[...] = jnp.dot(
            x_ref[...], wr_ref[...],
            preferred_element_type=jnp.float32) + b_ref[...]

    return pl.pallas_call(
        body,
        grid=(nblk,),
        in_specs=[
            pl.BlockSpec((BR, DIN), lambda i: (i, 0)),
            pl.BlockSpec((DIN, DIN), lambda i: (0, 0)),
            pl.BlockSpec((1, DIN), lambda i: (0, 0)),
        ],
        out_specs=pl.BlockSpec((BR, DIN), lambda i: (i, 0)),
        out_shape=jax.ShapeDtypeStruct((N, DIN), jnp.float32),
    )(x, wrT, bias)


def _tc_combine(agg, deg, root, wnT):
    BR = 2048
    nblk = (N + BR - 1) // BR
    DR = BR // 128

    def body(a_ref, d_ref, r_ref, wn_ref, o_ref):
        dcol = jnp.concatenate(
            [jnp.transpose(d_ref[0, i:i + 1, :]) for i in range(DR)], axis=0)
        d = jnp.maximum(dcol, 1.0)
        neigh = a_ref[...] / d
        o_ref[...] = jnp.dot(
            neigh.astype(jnp.bfloat16), wn_ref[...],
            preferred_element_type=jnp.float32) + r_ref[...]

    return pl.pallas_call(
        body,
        grid=(nblk,),
        in_specs=[
            pl.BlockSpec((BR, DIN), lambda i: (i, 0)),
            pl.BlockSpec((1, DR, 128), lambda i: (0, i, 0)),
            pl.BlockSpec((BR, DIN), lambda i: (i, 0)),
            pl.BlockSpec((DIN, DIN), lambda i: (0, 0)),
        ],
        out_specs=pl.BlockSpec((BR, DIN), lambda i: (i, 0)),
        out_shape=jax.ShapeDtypeStruct((N, DIN), jnp.float32),
    )(agg, deg, root, wnT.astype(jnp.bfloat16))


def kernel(x, edge_index, W_neigh, b_neigh, W_root, b_root):
    f32 = jnp.float32
    edges = edge_index.astype(jnp.int32)
    x = x.astype(f32)
    zeros_tile = jnp.zeros((RPT, DH), f32)
    agg, deg, _ = _sc_aggregate(x, edges, zeros_tile)
    bias = (b_neigh + b_root).reshape(1, DIN).astype(f32)
    root = _tc_root(x, W_root.T.astype(f32), bias)
    return _tc_combine(agg, deg, root, W_neigh.T.astype(f32))

# --- scband reference (transcript-rebuilt; emitter-appended) ---
"""Pipeline reference for scband-cluster-gcnconv-936302871072 (READ-ONLY COPY).

The authoritative reference and input builder live on the scoring server;
editing this copy changes nothing except your own understanding.
"""

import jax, jax.numpy as jnp
import numpy as np

IN_CHANNELS = 128
OUT_CHANNELS = 128
DIAG_LAMBDA = 0.0
N_NODES = 10000
N_EDGES = 320000


def setup_inputs(seed: int = 0) -> dict:
    key = jax.random.key(seed)
    k_x, k_e, k_wn, k_bn, k_wr, k_br = jax.random.split(key, 6)
    x = jax.random.normal(k_x, (N_NODES, IN_CHANNELS), dtype=jnp.float32)
    edge_index = jax.random.randint(k_e, (2, N_EDGES), 0, N_NODES, dtype=jnp.int64)
    bound = 1.0 / np.sqrt(IN_CHANNELS)
    W_neigh = jax.random.uniform(k_wn, (OUT_CHANNELS, IN_CHANNELS), minval=-bound, maxval=bound, dtype=jnp.float32)
    b_neigh = jax.random.uniform(k_bn, (OUT_CHANNELS,), minval=-bound, maxval=bound, dtype=jnp.float32)
    W_root = jax.random.uniform(k_wr, (OUT_CHANNELS, IN_CHANNELS), minval=-bound, maxval=bound, dtype=jnp.float32)
    b_root = jax.random.uniform(k_br, (OUT_CHANNELS,), minval=-bound, maxval=bound, dtype=jnp.float32)
    return {"x": x, "edge_index": edge_index, "W_neigh": W_neigh, "b_neigh": b_neigh, "W_root": W_root, "b_root": b_root}


def reference(x, edge_index, W_neigh, b_neigh, W_root, b_root):
    src = edge_index[0]
    dst = edge_index[1]
    n = x.shape[0]
    # mean_propagate: scatter-add neighbor (source) features into destination nodes, divide by in-degree
    agg = jnp.zeros((n, x.shape[1]), dtype=x.dtype).at[dst].add(x[src])
    deg = jnp.zeros((n,), dtype=x.dtype).at[dst].add(1.0)
    neigh = agg / jnp.clip(deg, 1.0, None)[:, None]
    out = neigh @ W_neigh.T + b_neigh + ((1.0 + DIAG_LAMBDA) * x) @ W_root.T + b_root
    return out

if __name__ == "__main__":
    import jax
    _d = setup_inputs()
    print(jax.jit(kernel)(*tuple(_d.values())))

</pallas_src>

<mosaic_0001>
#map = affine_map<(d0, d1) -> (0, 0)>
#map1 = affine_map<(d0, d1) -> (0, 0, 0)>
module attributes {stable_mosaic.version = 14 : i64} {
  func.func @body(%arg0: i32, %arg1: i32, %arg2: memref<10000x128xf32, #tpu.memory_space<hbm>>, %arg3: memref<2x320000xi32, #tpu.memory_space<hbm>>, %arg4: memref<640x64xf32, #tpu.memory_space<hbm>>, %arg5: memref<10240x128xf32, #tpu.memory_space<hbm>>, %arg6: memref<2x80x128xf32, #tpu.memory_space<hbm>>, %arg7: memref<2x10000x64xf32, #tpu.memory_space<hbm>>, %arg8: memref<20000xi32, #tpu.memory_space<vmem>>, %arg9: memref<20000xi32, #tpu.memory_space<vmem>>, %arg10: memref<128x64xf32, #tpu.memory_space<vmem>>, %arg11: memref<128x64xf32, #tpu.memory_space<vmem>>, %arg12: memref<128x64xf32, #tpu.memory_space<vmem>>, %arg13: memref<128x64xf32, #tpu.memory_space<vmem>>, %arg14: memref<80x128xf32, #tpu.memory_space<vmem>>, %arg15: memref<80xi32, #tpu.memory_space<vmem>>, %arg16: memref<10240x64xf32, #tpu.memory_space<vmem_shared>>, %arg17: memref<80x128xf32, #tpu.memory_space<vmem_shared>>, %arg18: memref<!tpu.dma_semaphore, #tpu.memory_space<semaphore_mem>>, %arg19: memref<!tpu.dma_semaphore, #tpu.memory_space<semaphore_mem>>, %arg20: memref<!tpu.dma_semaphore, #tpu.memory_space<semaphore_mem>>, %arg21: memref<!tpu.dma_semaphore, #tpu.memory_space<semaphore_mem>>, %arg22: memref<!tpu.dma_semaphore, #tpu.memory_space<semaphore_mem>>, %arg23: memref<!tpu.dma_semaphore, #tpu.memory_space<semaphore_mem>>, %arg24: memref<!tpu.dma_semaphore, #tpu.memory_space<semaphore_mem>>, %arg25: memref<!tpu.dma_semaphore, #tpu.memory_space<semaphore_mem>>) attributes {dimension_semantics = [#tpu.dimension_semantics<core_parallel>, #tpu.dimension_semantics<subcore_parallel>], iteration_bounds = array<i64: 2, 16>, scalar_prefetch = 0 : i64, scratch_operands = 18 : i64, tpu.core_type = #tpu.core_type<sc_vector_subcore>, window_params = [{transform_indices = #map}, {transform_indices = #map}, {transform_indices = #map}, {transform_indices = #map}, {transform_indices = #map1}, {transform_indices = #map1}]} {
    %broadcast_in_dim3A = arith.constant 1.000000e+00 : f32
    %broadcast_in_dim3A_0 = vector.broadcast %broadcast_in_dim3A : f32 to vector<16xf32>
    %broadcast_in_dim3A_1 = arith.constant 0.000000e+00 : f32
    %broadcast_in_dim3A_2 = vector.broadcast %broadcast_in_dim3A_1 : f32 to vector<16xf32>
    %iota3A = tpu.iota {dimensions = array<i32: 0>} : vector<16xi32>
    %mul3A = arith.constant 625 : i32
    %mul3A_3 = arith.muli %arg1, %mul3A : i32
    %add3A = arith.constant 0 : i32
    %add3A_4 = arith.addi %mul3A_3, %add3A : i32
    %mul3A_5 = arith.constant 64 : i32
    %mul3A_6 = arith.muli %arg0, %mul3A_5 : i32
    %dma_start3A = tpu.memref_slice %arg2[%add3A_4, %mul3A_6] : memref<10000x128xf32, #tpu.memory_space<hbm>> -> memref<128x64xf32, #tpu.memory_space<hbm>>
    %dma_start3A_7 = tpu.memref_slice %arg2[%add3A_4, %mul3A_6] : memref<10000x128xf32, #tpu.memory_space<hbm>> -> memref<128x64xf32, #tpu.memory_space<hbm>>
    tpu.enqueue_dma source(%dma_start3A_7 : memref<128x64xf32, #tpu.memory_space<hbm>>) target(%arg10 : memref<128x64xf32, #tpu.memory_space<vmem>>) target_semaphore(%arg18 : memref<!tpu.dma_semaphore, #tpu.memory_space<semaphore_mem>>)
    %add3A_8 = arith.constant 128 : i32
    %add3A_9 = arith.addi %mul3A_3, %add3A_8 : i32
    %mul3A_10 = arith.constant 64 : i32
    %mul3A_11 = arith.muli %arg0, %mul3A_10 : i32
    %dma_start3A_12 = tpu.memref_slice %arg2[%add3A_9, %mul3A_11] : memref<10000x128xf32, #tpu.memory_space<hbm>> -> memref<128x64xf32, #tpu.memory_space<hbm>>
    %dma_start3A_13 = tpu.memref_slice %arg2[%add3A_9, %mul3A_11] : memref<10000x128xf32, #tpu.memory_space<hbm>> -> memref<128x64xf32, #tpu.memory_space<hbm>>
    tpu.enqueue_dma source(%dma_start3A_13 : memref<128x64xf32, #tpu.memory_space<hbm>>) target(%arg11 : memref<128x64xf32, #tpu.memory_space<vmem>>) target_semaphore(%arg19 : memref<!tpu.dma_semaphore, #tpu.memory_space<semaphore_mem>>)
    %mul3A_14 = arith.constant 20000 : i32
    %mul3A_15 = arith.muli %arg1, %mul3A_14 : i32
    %dma_start3A_16 = arith.constant 0 : i32
    %dma_start3A_17 = tpu.memref_slice %arg3[%dma_start3A_16, %mul3A_15] : memref<2x320000xi32, #tpu.memory_space<hbm>> -> memref<1x20000xi32, #tpu.memory_space<hbm>>
    %dma_start3A_18 = tpu.memref_squeeze %dma_start3A_17 : memref<1x20000xi32, #tpu.memory_space<hbm>> -> memref<20000xi32, #tpu.memory_space<hbm>>
    %dma_start3A_19 = tpu.memref_slice %arg3[%dma_start3A_16, %mul3A_15] : memref<2x320000xi32, #tpu.memory_space<hbm>> -> memref<1x20000xi32, #tpu.memory_space<hbm>>
    %dma_start3A_20 = tpu.memref_squeeze %dma_start3A_19 : memref<1x20000xi32, #tpu.memory_space<hbm>> -> memref<20000xi32, #tpu.memory_space<hbm>>
    tpu.enqueue_dma source(%dma_start3A_20 : memref<20000xi32, #tpu.memory_space<hbm>>) target(%arg8 : memref<20000xi32, #tpu.memory_space<vmem>>) target_semaphore(%arg22 : memref<!tpu.dma_semaphore, #tpu.memory_space<semaphore_mem>>)
    %mul3A_21 = arith.constant 20000 : i32
    %mul3A_22 = arith.muli %arg1, %mul3A_21 : i32
    %dma_start3A_23 = arith.constant 1 : i32
    %dma_start3A_24 = tpu.memref_slice %arg3[%dma_start3A_23, %mul3A_22] : memref<2x320000xi32, #tpu.memory_space<hbm>> -> memref<1x20000xi32, #tpu.memory_space<hbm>>
    %dma_start3A_25 = tpu.memref_squeeze %dma_start3A_24 : memref<1x20000xi32, #tpu.memory_space<hbm>> -> memref<20000xi32, #tpu.memory_space<hbm>>
    %dma_start3A_26 = tpu.memref_slice %arg3[%dma_start3A_23, %mul3A_22] : memref<2x320000xi32, #tpu.memory_space<hbm>> -> memref<1x20000xi32, #tpu.memory_space<hbm>>
    %dma_start3A_27 = tpu.memref_squeeze %dma_start3A_26 : memref<1x20000xi32, #tpu.memory_space<hbm>> -> memref<20000xi32, #tpu.memory_space<hbm>>
    tpu.enqueue_dma source(%dma_start3A_27 : memref<20000xi32, #tpu.memory_space<hbm>>) target(%arg9 : memref<20000xi32, #tpu.memory_space<vmem>>) target_semaphore(%arg23 : memref<!tpu.dma_semaphore, #tpu.memory_space<semaphore_mem>>)
    %mul3A_28 = arith.constant 640 : i32
    %mul3A_29 = arith.muli %arg1, %mul3A_28 : i32
    %dma_start3A_30 = arith.constant 0 : i32
    %dma_start3A_31 = tpu.memref_slice %arg16[%mul3A_29, %dma_start3A_30] : memref<10240x64xf32, #tpu.memory_space<vmem_shared>> -> memref<640x64xf32, #tpu.memory_space<vmem_shared>>
    tpu.enqueue_dma source(%arg4 : memref<640x64xf32, #tpu.memory_space<hbm>>) target(%dma_start3A_31 : memref<640x64xf32, #tpu.memory_space<vmem_shared>>) target_semaphore(%arg24 : memref<!tpu.dma_semaphore, #tpu.memory_space<semaphore_mem>>)
    %scan3A = arith.constant 0 : i32
    %scan3A_32 = arith.constant 80 : i32
    %scan3A_33 = arith.addi %scan3A, %scan3A_32 : i32
    %scan3A_34 = arith.constant 1 : i32
    scf.for %scan3A_213 = %scan3A to %scan3A_33 step %scan3A_34  : i32 {
      %mul3A_214 = arith.constant 1 : i32
      %mul3A_215 = arith.muli %scan3A_213, %mul3A_214 : i32
      %add3A_216 = arith.constant 0 : i32
      %add3A_217 = arith.addi %add3A_216, %mul3A_215 : i32
      %swap3A_218 = arith.index_cast %add3A_217 : i32 to index
      %swap3A_219 = arith.constant 0 : index
      %swap3A_220 = tpu.vector_load %arg14[%swap3A_218, %swap3A_219] {strides = array<i32>} : memref<80x128xf32, #tpu.memory_space<vmem>>, vector<16xf32>,
      tpu.vector_store %arg14[%swap3A_218, %swap3A_219], %broadcast_in_dim3A_2 {strides = array<i32>} : memref<80x128xf32, #tpu.memory_space<vmem>>, vector<16xf32>,
      %swap3A_221 = arith.index_cast %add3A_217 : i32 to index
      %swap3A_222 = arith.constant 16 : index
      %swap3A_223 = tpu.vector_load %arg14[%swap3A_221, %swap3A_222] {strides = array<i32>} : memref<80x128xf32, #tpu.memory_space<vmem>>, vector<16xf32>,
      tpu.vector_store %arg14[%swap3A_221, %swap3A_222], %broadcast_in_dim3A_2 {strides = array<i32>} : memref<80x128xf32, #tpu.memory_space<vmem>>, vector<16xf32>,
      %swap3A_224 = arith.index_cast %add3A_217 : i32 to index
      %swap3A_225 = arith.constant 32 : index
      %swap3A_226 = tpu.vector_load %arg14[%swap3A_224, %swap3A_225] {strides = array<i32>} : memref<80x128xf32, #tpu.memory_space<vmem>>, vector<16xf32>,
      tpu.vector_store %arg14[%swap3A_224, %swap3A_225], %broadcast_in_dim3A_2 {strides = array<i32>} : memref<80x128xf32, #tpu.memory_space<vmem>>, vector<16xf32>,
      %swap3A_227 = arith.index_cast %add3A_217 : i32 to index
      %swap3A_228 = arith.constant 48 : index
      %swap3A_229 = tpu.vector_load %arg14[%swap3A_227, %swap3A_228] {strides = array<i32>} : memref<80x128xf32, #tpu.memory_space<vmem>>, vector<16xf32>,
      tpu.vector_store %arg14[%swap3A_227, %swap3A_228], %broadcast_in_dim3A_2 {strides = array<i32>} : memref<80x128xf32, #tpu.memory_space<vmem>>, vector<16xf32>,
      %swap3A_230 = arith.index_cast %add3A_217 : i32 to index
      %swap3A_231 = arith.constant 64 : index
      %swap3A_232 = tpu.vector_load %arg14[%swap3A_230, %swap3A_231] {strides = array<i32>} : memref<80x128xf32, #tpu.memory_space<vmem>>, vector<16xf32>,
      tpu.vector_store %arg14[%swap3A_230, %swap3A_231], %broadcast_in_dim3A_2 {strides = array<i32>} : memref<80x128xf32, #tpu.memory_space<vmem>>, vector<16xf32>,
      %swap3A_233 = arith.index_cast %add3A_217 : i32 to index
      %swap3A_234 = arith.constant 80 : index
      %swap3A_235 = tpu.vector_load %arg14[%swap3A_233, %swap3A_234] {strides = array<i32>} : memref<80x128xf32, #tpu.memory_space<vmem>>, vector<16xf32>,
      tpu.vector_store %arg14[%swap3A_233, %swap3A_234], %broadcast_in_dim3A_2 {strides = array<i32>} : memref<80x128xf32, #tpu.memory_space<vmem>>, vector<16xf32>,
      %swap3A_236 = arith.index_cast %add3A_217 : i32 to index
      %swap3A_237 = arith.constant 96 : index
      %swap3A_238 = tpu.vector_load %arg14[%swap3A_236, %swap3A_237] {strides = array<i32>} : memref<80x128xf32, #tpu.memory_space<vmem>>, vector<16xf32>,
      tpu.vector_store %arg14[%swap3A_236, %swap3A_237], %broadcast_in_dim3A_2 {strides = array<i32>} : memref<80x128xf32, #tpu.memory_space<vmem>>, vector<16xf32>,
      %swap3A_239 = arith.index_cast %add3A_217 : i32 to index
      %swap3A_240 = arith.constant 112 : index
      %swap3A_241 = tpu.vector_load %arg14[%swap3A_239, %swap3A_240] {strides = array<i32>} : memref<80x128xf32, #tpu.memory_space<vmem>>, vector<16xf32>,
      tpu.vector_store %arg14[%swap3A_239, %swap3A_240], %broadcast_in_dim3A_2 {strides = array<i32>} : memref<80x128xf32, #tpu.memory_space<vmem>>, vector<16xf32>,
    }
    %scan3A_35 = arith.constant 80 : i32
    %add3A_36 = arith.constant 0 : i32
    %add3A_37 = vector.broadcast %add3A_36 : i32 to vector<16xi32>
    %add3A_38 = arith.addi %iota3A, %add3A_37 : vector<16xi32>
    %swap3A = arith.constant 0 : index
    %swap3A_39 = tpu.vector_load %arg15[%swap3A] {strides = array<i32>} : memref<80xi32, #tpu.memory_space<vmem>>, vector<16xi32>,
    tpu.vector_store %arg15[%swap3A], %add3A_38 {strides = array<i32>} : memref<80xi32, #tpu.memory_space<vmem>>, vector<16xi32>,
    %add3A_40 = arith.constant 16 : i32
    %add3A_41 = vector.broadcast %add3A_40 : i32 to vector<16xi32>
    %add3A_42 = arith.addi %iota3A, %add3A_41 : vector<16xi32>
    %swap3A_43 = arith.constant 16 : index
    %swap3A_44 = tpu.vector_load %arg15[%swap3A_43] {strides = array<i32>} : memref<80xi32, #tpu.memory_space<vmem>>, vector<16xi32>,
    tpu.vector_store %arg15[%swap3A_43], %add3A_42 {strides = array<i32>} : memref<80xi32, #tpu.memory_space<vmem>>, vector<16xi32>,
    %add3A_45 = arith.constant 32 : i32
    %add3A_46 = vector.broadcast %add3A_45 : i32 to vector<16xi32>
    %add3A_47 = arith.addi %iota3A, %add3A_46 : vector<16xi32>
    %swap3A_48 = arith.constant 32 : index
    %swap3A_49 = tpu.vector_load %arg15[%swap3A_48] {strides = array<i32>} : memref<80xi32, #tpu.memory_space<vmem>>, vector<16xi32>,
    tpu.vector_store %arg15[%swap3A_48], %add3A_47 {strides = array<i32>} : memref<80xi32, #tpu.memory_space<vmem>>, vector<16xi32>,
    %add3A_50 = arith.constant 48 : i32
    %add3A_51 = vector.broadcast %add3A_50 : i32 to vector<16xi32>
    %add3A_52 = arith.addi %iota3A, %add3A_51 : vector<16xi32>
    %swap3A_53 = arith.constant 48 : index
    %swap3A_54 = tpu.vector_load %arg15[%swap3A_53] {strides = array<i32>} : memref<80xi32, #tpu.memory_space<vmem>>, vector<16xi32>,
    tpu.vector_store %arg15[%swap3A_53], %add3A_52 {strides = array<i32>} : memref<80xi32, #tpu.memory_space<vmem>>, vector<16xi32>,
    %add3A_55 = arith.constant 64 : i32
    %add3A_56 = vector.broadcast %add3A_55 : i32 to vector<16xi32>
    %add3A_57 = arith.addi %iota3A, %add3A_56 : vector<16xi32>
    %swap3A_58 = arith.constant 64 : index
    %swap3A_59 = tpu.vector_load %arg15[%swap3A_58] {strides = array<i32>} : memref<80xi32, #tpu.memory_space<vmem>>, vector<16xi32>,
    tpu.vector_store %arg15[%swap3A_58], %add3A_57 {strides = array<i32>} : memref<80xi32, #tpu.memory_space<vmem>>, vector<16xi32>,
    %add3A_60 = arith.constant 0 : i32
    %add3A_61 = arith.addi %mul3A_3, %add3A_60 : i32
    %mul3A_62 = arith.constant 64 : i32
    %mul3A_63 = arith.muli %arg0, %mul3A_62 : i32
    %dma_wait3A = tpu.memref_slice %arg2[%add3A_61, %mul3A_63] : memref<10000x128xf32, #tpu.memory_space<hbm>> -> memref<128x64xf32, #tpu.memory_space<hbm>>
    %dma_wait3A_64 = tpu.memref_slice %arg2[%add3A_61, %mul3A_63] : memref<10000x128xf32, #tpu.memory_space<hbm>> -> memref<128x64xf32, #tpu.memory_space<hbm>>
    tpu.wait_dma2 semaphore(%arg18 : memref<!tpu.dma_semaphore, #tpu.memory_space<semaphore_mem>>) src(%dma_wait3A_64 : memref<128x64xf32, #tpu.memory_space<hbm>>) dst(%arg10 : memref<128x64xf32, #tpu.memory_space<vmem>>)
    %add3A_65 = arith.constant 0 : i32
    %add3A_66 = arith.addi %mul3A_3, %add3A_65 : i32
    "tpu.region"() ({
      %run_scoped3A = tpu.sem_alloc : memref<!tpu.dma_semaphore, #tpu.memory_space<semaphore_mem>>
      %dma_start3A_213 = arith.constant 0 : i32
      %dma_start3A_214 = arith.constant 0 : i32
      %dma_start3A_215 = tpu.memref_slice %arg7[%arg0, %dma_start3A_213, %dma_start3A_214] : memref<2x10000x64xf32, #tpu.memory_space<hbm>> -> memref<1x10000x64xf32, #tpu.memory_space<hbm>>
      %dma_start3A_216 = tpu.memref_squeeze %dma_start3A_215 : memref<1x10000x64xf32, #tpu.memory_space<hbm>> -> memref<10000x64xf32, #tpu.memory_space<hbm>>
      %dma_start3A_217 = arith.constant 0 : i32
      %dma_start3A_218 = tpu.memref_slice %dma_start3A_216[%add3A_66, %dma_start3A_217] : memref<10000x64xf32, #tpu.memory_space<hbm>> -> memref<128x64xf32, #tpu.memory_space<hbm>>
      %dma_start3A_219 = arith.constant 0 : i32
      %dma_start3A_220 = arith.constant 0 : i32
      %dma_start3A_221 = tpu.memref_slice %arg7[%arg0, %dma_start3A_219, %dma_start3A_220] : memref<2x10000x64xf32, #tpu.memory_space<hbm>> -> memref<1x10000x64xf32, #tpu.memory_space<hbm>>
      %dma_start3A_222 = tpu.memref_squeeze %dma_start3A_221 : memref<1x10000x64xf32, #tpu.memory_space<hbm>> -> memref<10000x64xf32, #tpu.memory_space<hbm>>
      %dma_start3A_223 = arith.constant 0 : i32
      %dma_start3A_224 = tpu.memref_slice %dma_start3A_222[%add3A_66, %dma_start3A_223] : memref<10000x64xf32, #tpu.memory_space<hbm>> -> memref<128x64xf32, #tpu.memory_space<hbm>>
      tpu.enqueue_dma source(%arg10 : memref<128x64xf32, #tpu.memory_space<vmem>>) target(%dma_start3A_224 : memref<128x64xf32, #tpu.memory_space<hbm>>) target_semaphore(%run_scoped3A : memref<!tpu.dma_semaphore, #tpu.memory_space<semaphore_mem>>)
      %dma_wait3A_225 = arith.constant 0 : i32
      %dma_wait3A_226 = arith.constant 0 : i32
      %dma_wait3A_227 = tpu.memref_slice %arg7[%arg0, %dma_wait3A_225, %dma_wait3A_226] : memref<2x10000x64xf32, #tpu.memory_space<hbm>> -> memref<1x10000x64xf32, #tpu.memory_space<hbm>>
      %dma_wait3A_228 = tpu.memref_squeeze %dma_wait3A_227 : memref<1x10000x64xf32, #tpu.memory_space<hbm>> -> memref<10000x64xf32, #tpu.memory_space<hbm>>
      %dma_wait3A_229 = arith.constant 0 : i32
      %dma_wait3A_230 = tpu.memref_slice %dma_wait3A_228[%add3A_66, %dma_wait3A_229] : memref<10000x64xf32, #tpu.memory_space<hbm>> -> memref<128x64xf32, #tpu.memory_space<hbm>>
      %dma_wait3A_231 = arith.constant 0 : i32
      %dma_wait3A_232 = arith.constant 0 : i32
      %dma_wait3A_233 = tpu.memref_slice %arg7[%arg0, %dma_wait3A_231, %dma_wait3A_232] : memref<2x10000x64xf32, #tpu.memory_space<hbm>> -> memref<1x10000x64xf32, #tpu.memory_space<hbm>>
      %dma_wait3A_234 = tpu.memref_squeeze %dma_wait3A_233 : memref<1x10000x64xf32, #tpu.memory_space<hbm>> -> memref<10000x64xf32, #tpu.memory_space<hbm>>
      %dma_wait3A_235 = arith.constant 0 : i32
      %dma_wait3A_236 = tpu.memref_slice %dma_wait3A_234[%add3A_66, %dma_wait3A_235] : memref<10000x64xf32, #tpu.memory_space<hbm>> -> memref<128x64xf32, #tpu.memory_space<hbm>>
      tpu.wait_dma2 semaphore(%run_scoped3A : memref<!tpu.dma_semaphore, #tpu.memory_space<semaphore_mem>>) src(%arg10 : memref<128x64xf32, #tpu.memory_space<vmem>>) dst(%dma_wait3A_236 : memref<128x64xf32, #tpu.memory_space<hbm>>)
      tpu.yield
    }) : () -> ()
    %add3A_67 = arith.constant 256 : i32
    %add3A_68 = arith.addi %mul3A_3, %add3A_67 : i32
    %mul3A_69 = arith.constant 64 : i32
    %mul3A_70 = arith.muli %arg0, %mul3A_69 : i32
    %dma_start3A_71 = tpu.memref_slice %arg2[%add3A_68, %mul3A_70] : memref<10000x128xf32, #tpu.memory_space<hbm>> -> memref<128x64xf32, #tpu.memory_space<hbm>>
    %dma_start3A_72 = tpu.memref_slice %arg2[%add3A_68, %mul3A_70] : memref<10000x128xf32, #tpu.memory_space<hbm>> -> memref<128x64xf32, #tpu.memory_space<hbm>>
    tpu.enqueue_dma source(%dma_start3A_72 : memref<128x64xf32, #tpu.memory_space<hbm>>) target(%arg10 : memref<128x64xf32, #tpu.memory_space<vmem>>) target_semaphore(%arg18 : memref<!tpu.dma_semaphore, #tpu.memory_space<semaphore_mem>>)
    %add3A_73 = arith.constant 0 : i32
    %add3A_74 = arith.addi %mul3A_3, %add3A_73 : i32
    %mul3A_75 = arith.constant 64 : i32
    %mul3A_76 = arith.muli %arg0, %mul3A_75 : i32
    %dma_wait3A_77 = tpu.memref_slice %arg2[%add3A_74, %mul3A_76] : memref<10000x128xf32, #tpu.memory_space<hbm>> -> memref<128x64xf32, #tpu.memory_space<hbm>>
    %dma_wait3A_78 = tpu.memref_slice %arg2[%add3A_74, %mul3A_76] : memref<10000x128xf32, #tpu.memory_space<hbm>> -> memref<128x64xf32, #tpu.memory_space<hbm>>
    tpu.wait_dma2 semaphore(%arg19 : memref<!tpu.dma_semaphore, #tpu.memory_space<semaphore_mem>>) src(%dma_wait3A_78 : memref<128x64xf32, #tpu.memory_space<hbm>>) dst(%arg11 : memref<128x64xf32, #tpu.memory_space<vmem>>)
    %add3A_79 = arith.constant 128 : i32
    %add3A_80 = arith.addi %mul3A_3, %add3A_79 : i32
    "tpu.region"() ({
      %run_scoped3A = tpu.sem_alloc : memref<!tpu.dma_semaphore, #tpu.memory_space<semaphore_mem>>
      %dma_start3A_213 = arith.constant 0 : i32
      %dma_start3A_214 = arith.constant 0 : i32
      %dma_start3A_215 = tpu.memref_slice %arg7[%arg0, %dma_start3A_213, %dma_start3A_214] : memref<2x10000x64xf32, #tpu.memory_space<hbm>> -> memref<1x10000x64xf32, #tpu.memory_space<hbm>>
      %dma_start3A_216 = tpu.memref_squeeze %dma_start3A_215 : memref<1x10000x64xf32, #tpu.memory_space<hbm>> -> memref<10000x64xf32, #tpu.memory_space<hbm>>
      %dma_start3A_217 = arith.constant 0 : i32
      %dma_start3A_218 = tpu.memref_slice %dma_start3A_216[%add3A_80, %dma_start3A_217] : memref<10000x64xf32, #tpu.memory_space<hbm>> -> memref<128x64xf32, #tpu.memory_space<hbm>>
      %dma_start3A_219 = arith.constant 0 : i32
      %dma_start3A_220 = arith.constant 0 : i32
      %dma_start3A_221 = tpu.memref_slice %arg7[%arg0, %dma_start3A_219, %dma_start3A_220] : memref<2x10000x64xf32, #tpu.memory_space<hbm>> -> memref<1x10000x64xf32, #tpu.memory_space<hbm>>
      %dma_start3A_222 = tpu.memref_squeeze %dma_start3A_221 : memref<1x10000x64xf32, #tpu.memory_space<hbm>> -> memref<10000x64xf32, #tpu.memory_space<hbm>>
      %dma_start3A_223 = arith.constant 0 : i32
      %dma_start3A_224 = tpu.memref_slice %dma_start3A_222[%add3A_80, %dma_start3A_223] : memref<10000x64xf32, #tpu.memory_space<hbm>> -> memref<128x64xf32, #tpu.memory_space<hbm>>
      tpu.enqueue_dma source(%arg11 : memref<128x64xf32, #tpu.memory_space<vmem>>) target(%dma_start3A_224 : memref<128x64xf32, #tpu.memory_space<hbm>>) target_semaphore(%run_scoped3A : memref<!tpu.dma_semaphore, #tpu.memory_space<semaphore_mem>>)
      %dma_wait3A_225 = arith.constant 0 : i32
      %dma_wait3A_226 = arith.constant 0 : i32
      %dma_wait3A_227 = tpu.memref_slice %arg7[%arg0, %dma_wait3A_225, %dma_wait3A_226] : memref<2x10000x64xf32, #tpu.memory_space<hbm>> -> memref<1x10000x64xf32, #tpu.memory_space<hbm>>
      %dma_wait3A_228 = tpu.memref_squeeze %dma_wait3A_227 : memref<1x10000x64xf32, #tpu.memory_space<hbm>> -> memref<10000x64xf32, #tpu.memory_space<hbm>>
      %dma_wait3A_229 = arith.constant 0 : i32
      %dma_wait3A_230 = tpu.memref_slice %dma_wait3A_228[%add3A_80, %dma_wait3A_229] : memref<10000x64xf32, #tpu.memory_space<hbm>> -> memref<128x64xf32, #tpu.memory_space<hbm>>
      %dma_wait3A_231 = arith.constant 0 : i32
      %dma_wait3A_232 = arith.constant 0 : i32
      %dma_wait3A_233 = tpu.memref_slice %arg7[%arg0, %dma_wait3A_231, %dma_wait3A_232] : memref<2x10000x64xf32, #tpu.memory_space<hbm>> -> memref<1x10000x64xf32, #tpu.memory_space<hbm>>
      %dma_wait3A_234 = tpu.memref_squeeze %dma_wait3A_233 : memref<1x10000x64xf32, #tpu.memory_space<hbm>> -> memref<10000x64xf32, #tpu.memory_space<hbm>>
      %dma_wait3A_235 = arith.constant 0 : i32
      %dma_wait3A_236 = tpu.memref_slice %dma_wait3A_234[%add3A_80, %dma_wait3A_235] : memref<10000x64xf32, #tpu.memory_space<hbm>> -> memref<128x64xf32, #tpu.memory_space<hbm>>
      tpu.wait_dma2 semaphore(%run_scoped3A : memref<!tpu.dma_semaphore, #tpu.memory_space<semaphore_mem>>) src(%arg11 : memref<128x64xf32, #tpu.memory_space<vmem>>) dst(%dma_wait3A_236 : memref<128x64xf32, #tpu.memory_space<hbm>>)
      tpu.yield
    }) : () -> ()
    %add3A_81 = arith.constant 384 : i32
    %add3A_82 = arith.addi %mul3A_3, %add3A_81 : i32
    %mul3A_83 = arith.constant 64 : i32
    %mul3A_84 = arith.muli %arg0, %mul3A_83 : i32
    %dma_start3A_85 = tpu.memref_slice %arg2[%add3A_82, %mul3A_84] : memref<10000x128xf32, #tpu.memory_space<hbm>> -> memref<128x64xf32, #tpu.memory_space<hbm>>
    %dma_start3A_86 = tpu.memref_slice %arg2[%add3A_82, %mul3A_84] : memref<10000x128xf32, #tpu.memory_space<hbm>> -> memref<128x64xf32, #tpu.memory_space<hbm>>
    tpu.enqueue_dma source(%dma_start3A_86 : memref<128x64xf32, #tpu.memory_space<hbm>>) target(%arg11 : memref<128x64xf32, #tpu.memory_space<vmem>>) target_semaphore(%arg19 : memref<!tpu.dma_semaphore, #tpu.memory_space<semaphore_mem>>)
    %add3A_87 = arith.constant 0 : i32
    %add3A_88 = arith.addi %mul3A_3, %add3A_87 : i32
    %mul3A_89 = arith.constant 64 : i32
    %mul3A_90 = arith.muli %arg0, %mul3A_89 : i32
    %dma_wait3A_91 = tpu.memref_slice %arg2[%add3A_88, %mul3A_90] : memref<10000x128xf32, #tpu.memory_space<hbm>> -> memref<128x64xf32, #tpu.memory_space<hbm>>
    %dma_wait3A_92 = tpu.memref_slice %arg2[%add3A_88, %mul3A_90] : memref<10000x128xf32, #tpu.memory_space<hbm>> -> memref<128x64xf32, #tpu.memory_space<hbm>>
    tpu.wait_dma2 semaphore(%arg18 : memref<!tpu.dma_semaphore, #tpu.memory_space<semaphore_mem>>) src(%dma_wait3A_92 : memref<128x64xf32, #tpu.memory_space<hbm>>) dst(%arg10 : memref<128x64xf32, #tpu.memory_space<vmem>>)
    %add3A_93 = arith.constant 256 : i32
    %add3A_94 = arith.addi %mul3A_3, %add3A_93 : i32
    "tpu.region"() ({
      %run_scoped3A = tpu.sem_alloc : memref<!tpu.dma_semaphore, #tpu.memory_space<semaphore_mem>>
      %dma_start3A_213 = arith.constant 0 : i32
      %dma_start3A_214 = arith.constant 0 : i32
      %dma_start3A_215 = tpu.memref_slice %arg7[%arg0, %dma_start3A_213, %dma_start3A_214] : memref<2x10000x64xf32, #tpu.memory_space<hbm>> -> memref<1x10000x64xf32, #tpu.memory_space<hbm>>
      %dma_start3A_216 = tpu.memref_squeeze %dma_start3A_215 : memref<1x10000x64xf32, #tpu.memory_space<hbm>> -> memref<10000x64xf32, #tpu.memory_space<hbm>>
      %dma_start3A_217 = arith.constant 0 : i32
      %dma_start3A_218 = tpu.memref_slice %dma_start3A_216[%add3A_94, %dma_start3A_217] : memref<10000x64xf32, #tpu.memory_space<hbm>> -> memref<128x64xf32, #tpu.memory_space<hbm>>
      %dma_start3A_219 = arith.constant 0 : i32
      %dma_start3A_220 = arith.constant 0 : i32
      %dma_start3A_221 = tpu.memref_slice %arg7[%arg0, %dma_start3A_219, %dma_start3A_220] : memref<2x10000x64xf32, #tpu.memory_space<hbm>> -> memref<1x10000x64xf32, #tpu.memory_space<hbm>>
      %dma_start3A_222 = tpu.memref_squeeze %dma_start3A_221 : memref<1x10000x64xf32, #tpu.memory_space<hbm>> -> memref<10000x64xf32, #tpu.memory_space<hbm>>
      %dma_start3A_223 = arith.constant 0 : i32
      %dma_start3A_224 = tpu.memref_slice %dma_start3A_222[%add3A_94, %dma_start3A_223] : memref<10000x64xf32, #tpu.memory_space<hbm>> -> memref<128x64xf32, #tpu.memory_space<hbm>>
      tpu.enqueue_dma source(%arg10 : memref<128x64xf32, #tpu.memory_space<vmem>>) target(%dma_start3A_224 : memref<128x64xf32, #tpu.memory_space<hbm>>) target_semaphore(%run_scoped3A : memref<!tpu.dma_semaphore, #tpu.memory_space<semaphore_mem>>)
      %dma_wait3A_225 = arith.constant 0 : i32
      %dma_wait3A_226 = arith.constant 0 : i32
      %dma_wait3A_227 = tpu.memref_slice %arg7[%arg0, %dma_wait3A_225, %dma_wait3A_226] : memref<2x10000x64xf32, #tpu.memory_space<hbm>> -> memref<1x10000x64xf32, #tpu.memory_space<hbm>>
      %dma_wait3A_228 = tpu.memref_squeeze %dma_wait3A_227 : memref<1x10000x64xf32, #tpu.memory_space<hbm>> -> memref<10000x64xf32, #tpu.memory_space<hbm>>
      %dma_wait3A_229 = arith.constant 0 : i32
      %dma_wait3A_230 = tpu.memref_slice %dma_wait3A_228[%add3A_94, %dma_wait3A_229] : memref<10000x64xf32, #tpu.memory_space<hbm>> -> memref<128x64xf32, #tpu.memory_space<hbm>>
      %dma_wait3A_231 = arith.constant 0 : i32
      %dma_wait3A_232 = arith.constant 0 : i32
      %dma_wait3A_233 = tpu.memref_slice %arg7[%arg0, %dma_wait3A_231, %dma_wait3A_232] : memref<2x10000x64xf32, #tpu.memory_space<hbm>> -> memref<1x10000x64xf32, #tpu.memory_space<hbm>>
      %dma_wait3A_234 = tpu.memref_squeeze %dma_wait3A_233 : memref<1x10000x64xf32, #tpu.memory_space<hbm>> -> memref<10000x64xf32, #tpu.memory_space<hbm>>
      %dma_wait3A_235 = arith.constant 0 : i32
      %dma_wait3A_236 = tpu.memref_slice %dma_wait3A_234[%add3A_94, %dma_wait3A_235] : memref<10000x64xf32, #tpu.memory_space<hbm>> -> memref<128x64xf32, #tpu.memory_space<hbm>>
      tpu.wait_dma2 semaphore(%run_scoped3A : memref<!tpu.dma_semaphore, #tpu.memory_space<semaphore_mem>>) src(%arg10 : memref<128x64xf32, #tpu.memory_space<vmem>>) dst(%dma_wait3A_236 : memref<128x64xf32, #tpu.memory_space<hbm>>)
      tpu.yield
    }) : () -> ()
    %add3A_95 = arith.constant 0 : i32
    %add3A_96 = arith.addi %mul3A_3, %add3A_95 : i32
    %mul3A_97 = arith.constant 64 : i32
    %mul3A_98 = arith.muli %arg0, %mul3A_97 : i32
    %dma_wait3A_99 = tpu.memref_slice %arg2[%add3A_96, %mul3A_98] : memref<10000x128xf32, #tpu.memory_space<hbm>> -> memref<128x64xf32, #tpu.memory_space<hbm>>
    %dma_wait3A_100 = tpu.memref_slice %arg2[%add3A_96, %mul3A_98] : memref<10000x128xf32, #tpu.memory_space<hbm>> -> memref<128x64xf32, #tpu.memory_space<hbm>>
    tpu.wait_dma2 semaphore(%arg19 : memref<!tpu.dma_semaphore, #tpu.memory_space<semaphore_mem>>) src(%dma_wait3A_100 : memref<128x64xf32, #tpu.memory_space<hbm>>) dst(%arg11 : memref<128x64xf32, #tpu.memory_space<vmem>>)
    %add3A_101 = arith.constant 384 : i32
    %add3A_102 = arith.addi %mul3A_3, %add3A_101 : i32
    "tpu.region"() ({
      %run_scoped3A = tpu.sem_alloc : memref<!tpu.dma_semaphore, #tpu.memory_space<semaphore_mem>>
      %dma_start3A_213 = arith.constant 0 : i32
      %dma_start3A_214 = arith.constant 0 : i32
      %dma_start3A_215 = tpu.memref_slice %arg7[%arg0, %dma_start3A_213, %dma_start3A_214] : memref<2x10000x64xf32, #tpu.memory_space<hbm>> -> memref<1x10000x64xf32, #tpu.memory_space<hbm>>
      %dma_start3A_216 = tpu.memref_squeeze %dma_start3A_215 : memref<1x10000x64xf32, #tpu.memory_space<hbm>> -> memref<10000x64xf32, #tpu.memory_space<hbm>>
      %dma_start3A_217 = arith.constant 0 : i32
      %dma_start3A_218 = tpu.memref_slice %dma_start3A_216[%add3A_102, %dma_start3A_217] : memref<10000x64xf32, #tpu.memory_space<hbm>> -> memref<128x64xf32, #tpu.memory_space<hbm>>
      %dma_start3A_219 = arith.constant 0 : i32
      %dma_start3A_220 = arith.constant 0 : i32
      %dma_start3A_221 = tpu.memref_slice %arg7[%arg0, %dma_start3A_219, %dma_start3A_220] : memref<2x10000x64xf32, #tpu.memory_space<hbm>> -> memref<1x10000x64xf32, #tpu.memory_space<hbm>>
      %dma_start3A_222 = tpu.memref_squeeze %dma_start3A_221 : memref<1x10000x64xf32, #tpu.memory_space<hbm>> -> memref<10000x64xf32, #tpu.memory_space<hbm>>
      %dma_start3A_223 = arith.constant 0 : i32
      %dma_start3A_224 = tpu.memref_slice %dma_start3A_222[%add3A_102, %dma_start3A_223] : memref<10000x64xf32, #tpu.memory_space<hbm>> -> memref<128x64xf32, #tpu.memory_space<hbm>>
      tpu.enqueue_dma source(%arg11 : memref<128x64xf32, #tpu.memory_space<vmem>>) target(%dma_start3A_224 : memref<128x64xf32, #tpu.memory_space<hbm>>) target_semaphore(%run_scoped3A : memref<!tpu.dma_semaphore, #tpu.memory_space<semaphore_mem>>)
      %dma_wait3A_225 = arith.constant 0 : i32
      %dma_wait3A_226 = arith.constant 0 : i32
      %dma_wait3A_227 = tpu.memref_slice %arg7[%arg0, %dma_wait3A_225, %dma_wait3A_226] : memref<2x10000x64xf32, #tpu.memory_space<hbm>> -> memref<1x10000x64xf32, #tpu.memory_space<hbm>>
      %dma_wait3A_228 = tpu.memref_squeeze %dma_wait3A_227 : memref<1x10000x64xf32, #tpu.memory_space<hbm>> -> memref<10000x64xf32, #tpu.memory_space<hbm>>
      %dma_wait3A_229 = arith.constant 0 : i32
      %dma_wait3A_230 = tpu.memref_slice %dma_wait3A_228[%add3A_102, %dma_wait3A_229] : memref<10000x64xf32, #tpu.memory_space<hbm>> -> memref<128x64xf32, #tpu.memory_space<hbm>>
      %dma_wait3A_231 = arith.constant 0 : i32
      %dma_wait3A_232 = arith.constant 0 : i32
      %dma_wait3A_233 = tpu.memref_slice %arg7[%arg0, %dma_wait3A_231, %dma_wait3A_232] : memref<2x10000x64xf32, #tpu.memory_space<hbm>> -> memref<1x10000x64xf32, #tpu.memory_space<hbm>>
      %dma_wait3A_234 = tpu.memref_squeeze %dma_wait3A_233 : memref<1x10000x64xf32, #tpu.memory_space<hbm>> -> memref<10000x64xf32, #tpu.memory_space<hbm>>
      %dma_wait3A_235 = arith.constant 0 : i32
      %dma_wait3A_236 = tpu.memref_slice %dma_wait3A_234[%add3A_102, %dma_wait3A_235] : memref<10000x64xf32, #tpu.memory_space<hbm>> -> memref<128x64xf32, #tpu.memory_space<hbm>>
      tpu.wait_dma2 semaphore(%run_scoped3A : memref<!tpu.dma_semaphore, #tpu.memory_space<semaphore_mem>>) src(%arg11 : memref<128x64xf32, #tpu.memory_space<vmem>>) dst(%dma_wait3A_236 : memref<128x64xf32, #tpu.memory_space<hbm>>)
      tpu.yield
    }) : () -> ()
    %add3A_103 = arith.constant 512 : i32
    %add3A_104 = arith.addi %mul3A_3, %add3A_103 : i32
    %mul3A_105 = arith.constant 64 : i32
    %mul3A_106 = arith.muli %arg0, %mul3A_105 : i32
    "tpu.region"() ({
      %run_scoped3A = tpu.sem_alloc : memref<!tpu.dma_semaphore, #tpu.memory_space<semaphore_mem>>
      %dma_start3A_213 = arith.constant 0 : i32
      %dma_start3A_214 = arith.constant 0 : i32
      %dma_start3A_215 = tpu.memref_slice %arg10[%dma_start3A_213, %dma_start3A_214] : memref<128x64xf32, #tpu.memory_space<vmem>> -> memref<113x64xf32, #tpu.memory_space<vmem>>
      %dma_start3A_216 = tpu.memref_slice %arg2[%add3A_104, %mul3A_106] : memref<10000x128xf32, #tpu.memory_space<hbm>> -> memref<113x64xf32, #tpu.memory_space<hbm>>
      %dma_start3A_217 = arith.constant 0 : i32
      %dma_start3A_218 = arith.constant 0 : i32
      %dma_start3A_219 = tpu.memref_slice %arg10[%dma_start3A_217, %dma_start3A_218] : memref<128x64xf32, #tpu.memory_space<vmem>> -> memref<113x64xf32, #tpu.memory_space<vmem>>
      %dma_start3A_220 = tpu.memref_slice %arg2[%add3A_104, %mul3A_106] : memref<10000x128xf32, #tpu.memory_space<hbm>> -> memref<113x64xf32, #tpu.memory_space<hbm>>
      tpu.enqueue_dma source(%dma_start3A_220 : memref<113x64xf32, #tpu.memory_space<hbm>>) target(%dma_start3A_219 : memref<113x64xf32, #tpu.memory_space<vmem>>) target_semaphore(%run_scoped3A : memref<!tpu.dma_semaphore, #tpu.memory_space<semaphore_mem>>)
      %dma_wait3A_221 = arith.constant 0 : i32
      %dma_wait3A_222 = arith.constant 0 : i32
      %dma_wait3A_223 = tpu.memref_slice %arg10[%dma_wait3A_221, %dma_wait3A_222] : memref<128x64xf32, #tpu.memory_space<vmem>> -> memref<113x64xf32, #tpu.memory_space<vmem>>
      %dma_wait3A_224 = tpu.memref_slice %arg2[%add3A_104, %mul3A_106] : memref<10000x128xf32, #tpu.memory_space<hbm>> -> memref<113x64xf32, #tpu.memory_space<hbm>>
      %dma_wait3A_225 = arith.constant 0 : i32
      %dma_wait3A_226 = arith.constant 0 : i32
      %dma_wait3A_227 = tpu.memref_slice %arg10[%dma_wait3A_225, %dma_wait3A_226] : memref<128x64xf32, #tpu.memory_space<vmem>> -> memref<113x64xf32, #tpu.memory_space<vmem>>
      %dma_wait3A_228 = tpu.memref_slice %arg2[%add3A_104, %mul3A_106] : memref<10000x128xf32, #tpu.memory_space<hbm>> -> memref<113x64xf32, #tpu.memory_space<hbm>>
      tpu.wait_dma2 semaphore(%run_scoped3A : memref<!tpu.dma_semaphore, #tpu.memory_space<semaphore_mem>>) src(%dma_wait3A_228 : memref<113x64xf32, #tpu.memory_space<hbm>>) dst(%dma_wait3A_227 : memref<113x64xf32, #tpu.memory_space<vmem>>)
      tpu.yield
    }) : () -> ()
    %add3A_107 = arith.constant 512 : i32
    %add3A_108 = arith.addi %mul3A_3, %add3A_107 : i32
    "tpu.region"() ({
      %run_scoped3A = tpu.sem_alloc : memref<!tpu.dma_semaphore, #tpu.memory_space<semaphore_mem>>
      %dma_start3A_213 = arith.constant 0 : i32
      %dma_start3A_214 = arith.constant 0 : i32
      %dma_start3A_215 = tpu.memref_slice %arg10[%dma_start3A_213, %dma_start3A_214] : memref<128x64xf32, #tpu.memory_space<vmem>> -> memref<113x64xf32, #tpu.memory_space<vmem>>
      %dma_start3A_216 = arith.constant 0 : i32
      %dma_start3A_217 = arith.constant 0 : i32
      %dma_start3A_218 = tpu.memref_slice %arg7[%arg0, %dma_start3A_216, %dma_start3A_217] : memref<2x10000x64xf32, #tpu.memory_space<hbm>> -> memref<1x10000x64xf32, #tpu.memory_space<hbm>>
      %dma_start3A_219 = tpu.memref_squeeze %dma_start3A_218 : memref<1x10000x64xf32, #tpu.memory_space<hbm>> -> memref<10000x64xf32, #tpu.memory_space<hbm>>
      %dma_start3A_220 = arith.constant 0 : i32
      %dma_start3A_221 = tpu.memref_slice %dma_start3A_219[%add3A_108, %dma_start3A_220] : memref<10000x64xf32, #tpu.memory_space<hbm>> -> memref<113x64xf32, #tpu.memory_space<hbm>>
      %dma_start3A_222 = arith.constant 0 : i32
      %dma_start3A_223 = arith.constant 0 : i32
      %dma_start3A_224 = tpu.memref_slice %arg7[%arg0, %dma_start3A_222, %dma_start3A_223] : memref<2x10000x64xf32, #tpu.memory_space<hbm>> -> memref<1x10000x64xf32, #tpu.memory_space<hbm>>
      %dma_start3A_225 = tpu.memref_squeeze %dma_start3A_224 : memref<1x10000x64xf32, #tpu.memory_space<hbm>> -> memref<10000x64xf32, #tpu.memory_space<hbm>>
      %dma_start3A_226 = arith.constant 0 : i32
      %dma_start3A_227 = tpu.memref_slice %dma_start3A_225[%add3A_108, %dma_start3A_226] : memref<10000x64xf32, #tpu.memory_space<hbm>> -> memref<113x64xf32, #tpu.memory_space<hbm>>
      %dma_start3A_228 = arith.constant 0 : i32
      %dma_start3A_229 = arith.constant 0 : i32
      %dma_start3A_230 = tpu.memref_slice %arg10[%dma_start3A_228, %dma_start3A_229] : memref<128x64xf32, #tpu.memory_space<vmem>> -> memref<113x64xf32, #tpu.memory_space<vmem>>
      tpu.enqueue_dma source(%dma_start3A_230 : memref<113x64xf32, #tpu.memory_space<vmem>>) target(%dma_start3A_227 : memref<113x64xf32, #tpu.memory_space<hbm>>) target_semaphore(%run_scoped3A : memref<!tpu.dma_semaphore, #tpu.memory_space<semaphore_mem>>)
      %dma_wait3A_231 = arith.constant 0 : i32
      %dma_wait3A_232 = arith.constant 0 : i32
      %dma_wait3A_233 = tpu.memref_slice %arg10[%dma_wait3A_231, %dma_wait3A_232] : memref<128x64xf32, #tpu.memory_space<vmem>> -> memref<113x64xf32, #tpu.memory_space<vmem>>
      %dma_wait3A_234 = arith.constant 0 : i32
      %dma_wait3A_235 = arith.constant 0 : i32
      %dma_wait3A_236 = tpu.memref_slice %arg7[%arg0, %dma_wait3A_234, %dma_wait3A_235] : memref<2x10000x64xf32, #tpu.memory_space<hbm>> -> memref<1x10000x64xf32, #tpu.memory_space<hbm>>
      %dma_wait3A_237 = tpu.memref_squeeze %dma_wait3A_236 : memref<1x10000x64xf32, #tpu.memory_space<hbm>> -> memref<10000x64xf32, #tpu.memory_space<hbm>>
      %dma_wait3A_238 = arith.constant 0 : i32
      %dma_wait3A_239 = tpu.memref_slice %dma_wait3A_237[%add3A_108, %dma_wait3A_238] : memref<10000x64xf32, #tpu.memory_space<hbm>> -> memref<113x64xf32, #tpu.memory_space<hbm>>
      %dma_wait3A_240 = arith.constant 0 : i32
      %dma_wait3A_241 = arith.constant 0 : i32
      %dma_wait3A_242 = tpu.memref_slice %arg7[%arg0, %dma_wait3A_240, %dma_wait3A_241] : memref<2x10000x64xf32, #tpu.memory_space<hbm>> -> memref<1x10000x64xf32, #tpu.memory_space<hbm>>
      %dma_wait3A_243 = tpu.memref_squeeze %dma_wait3A_242 : memref<1x10000x64xf32, #tpu.memory_space<hbm>> -> memref<10000x64xf32, #tpu.memory_space<hbm>>
      %dma_wait3A_244 = arith.constant 0 : i32
      %dma_wait3A_245 = tpu.memref_slice %dma_wait3A_243[%add3A_108, %dma_wait3A_244] : memref<10000x64xf32, #tpu.memory_space<hbm>> -> memref<113x64xf32, #tpu.memory_space<hbm>>
      %dma_wait3A_246 = arith.constant 0 : i32
      %dma_wait3A_247 = arith.constant 0 : i32
      %dma_wait3A_248 = tpu.memref_slice %arg10[%dma_wait3A_246, %dma_wait3A_247] : memref<128x64xf32, #tpu.memory_space<vmem>> -> memref<113x64xf32, #tpu.memory_space<vmem>>
      tpu.wait_dma2 semaphore(%run_scoped3A : memref<!tpu.dma_semaphore, #tpu.memory_space<semaphore_mem>>) src(%dma_wait3A_248 : memref<113x64xf32, #tpu.memory_space<vmem>>) dst(%dma_wait3A_245 : memref<113x64xf32, #tpu.memory_space<hbm>>)
      tpu.yield
    }) : () -> ()
    %dma_wait3A_109 = arith.constant 0 : i32
    %dma_wait3A_110 = tpu.memref_slice %arg3[%dma_wait3A_109, %mul3A_15] : memref<2x320000xi32, #tpu.memory_space<hbm>> -> memref<1x20000xi32, #tpu.memory_space<hbm>>
    %dma_wait3A_111 = tpu.memref_squeeze %dma_wait3A_110 : memref<1x20000xi32, #tpu.memory_space<hbm>> -> memref<20000xi32, #tpu.memory_space<hbm>>
    %dma_wait3A_112 = tpu.memref_slice %arg3[%dma_wait3A_109, %mul3A_15] : memref<2x320000xi32, #tpu.memory_space<hbm>> -> memref<1x20000xi32, #tpu.memory_space<hbm>>
    %dma_wait3A_113 = tpu.memref_squeeze %dma_wait3A_112 : memref<1x20000xi32, #tpu.memory_space<hbm>> -> memref<20000xi32, #tpu.memory_space<hbm>>
    tpu.wait_dma2 semaphore(%arg22 : memref<!tpu.dma_semaphore, #tpu.memory_space<semaphore_mem>>) src(%dma_wait3A_113 : memref<20000xi32, #tpu.memory_space<hbm>>) dst(%arg8 : memref<20000xi32, #tpu.memory_space<vmem>>)
    %dma_wait3A_114 = arith.constant 1 : i32
    %dma_wait3A_115 = tpu.memref_slice %arg3[%dma_wait3A_114, %mul3A_22] : memref<2x320000xi32, #tpu.memory_space<hbm>> -> memref<1x20000xi32, #tpu.memory_space<hbm>>
    %dma_wait3A_116 = tpu.memref_squeeze %dma_wait3A_115 : memref<1x20000xi32, #tpu.memory_space<hbm>> -> memref<20000xi32, #tpu.memory_space<hbm>>
    %dma_wait3A_117 = tpu.memref_slice %arg3[%dma_wait3A_114, %mul3A_22] : memref<2x320000xi32, #tpu.memory_space<hbm>> -> memref<1x20000xi32, #tpu.memory_space<hbm>>
    %dma_wait3A_118 = tpu.memref_squeeze %dma_wait3A_117 : memref<1x20000xi32, #tpu.memory_space<hbm>> -> memref<20000xi32, #tpu.memory_space<hbm>>
    tpu.wait_dma2 semaphore(%arg23 : memref<!tpu.dma_semaphore, #tpu.memory_space<semaphore_mem>>) src(%dma_wait3A_118 : memref<20000xi32, #tpu.memory_space<hbm>>) dst(%arg9 : memref<20000xi32, #tpu.memory_space<vmem>>)
    %dma_wait3A_119 = arith.constant 0 : i32
    %dma_wait3A_120 = tpu.memref_slice %arg16[%mul3A_29, %dma_wait3A_119] : memref<10240x64xf32, #tpu.memory_space<vmem_shared>> -> memref<640x64xf32, #tpu.memory_space<vmem_shared>>
    tpu.wait_dma2 semaphore(%arg24 : memref<!tpu.dma_semaphore, #tpu.memory_space<semaphore_mem>>) src(%arg4 : memref<640x64xf32, #tpu.memory_space<hbm>>) dst(%dma_wait3A_120 : memref<640x64xf32, #tpu.memory_space<vmem_shared>>)
    %eq3A = arith.constant 0 : i32
    %eq3A_121 = arith.cmpi eq, %arg1, %eq3A : i32
    %convert_element_type3A = arith.extui %eq3A_121 : i1 to i32
    %cond3A = arith.constant 0 : i32
    %cond3A_122 = arith.cmpi ne, %convert_element_type3A, %cond3A : i32
    scf.if %cond3A_122 {
      "tpu.region"() ({
        %run_scoped3A = tpu.sem_alloc : memref<!tpu.dma_semaphore, #tpu.memory_space<semaphore_mem>>
        tpu.enqueue_dma source(%arg14 : memref<80x128xf32, #tpu.memory_space<vmem>>) target(%arg17 : memref<80x128xf32, #tpu.memory_space<vmem_shared>>) target_semaphore(%run_scoped3A : memref<!tpu.dma_semaphore, #tpu.memory_space<semaphore_mem>>)
        tpu.wait_dma2 semaphore(%run_scoped3A : memref<!tpu.dma_semaphore, #tpu.memory_space<semaphore_mem>>) src(%arg14 : memref<80x128xf32, #tpu.memory_space<vmem>>) dst(%arg17 : memref<80x128xf32, #tpu.memory_space<vmem_shared>>)
        tpu.yield
      }) : () -> ()
    } else {
    }
    %barrier3A = arith.constant 0 : index
    tpu.barrier barrier_id(%barrier3A)
    %dma_start3A_123 = arith.constant 0 : i32
    %dma_start3A_124 = tpu.memref_slice %arg8[%dma_start3A_123] : memref<20000xi32, #tpu.memory_space<vmem>> -> memref<128xi32, #tpu.memory_space<vmem>>
    %dma_start3A_125 = arith.constant 0 : i32
    %dma_start3A_126 = arith.constant 0 : i32
    %dma_start3A_127 = tpu.memref_slice %arg7[%arg0, %dma_start3A_125, %dma_start3A_126] : memref<2x10000x64xf32, #tpu.memory_space<hbm>> -> memref<1x10000x64xf32, #tpu.memory_space<hbm>>
    %dma_start3A_128 = tpu.memref_squeeze %dma_start3A_127 : memref<1x10000x64xf32, #tpu.memory_space<hbm>> -> memref<10000x64xf32, #tpu.memory_space<hbm>>
    %dma_start3A_129 = arith.constant 0 : i32
    %dma_start3A_130 = arith.constant 0 : i32
    %dma_start3A_131 = tpu.memref_slice %dma_start3A_128[%dma_start3A_129, %dma_start3A_130] : memref<10000x64xf32, #tpu.memory_space<hbm>> -> memref<10000x64xf32, #tpu.memory_space<hbm>>
    tpu.enqueue_indirect_dma source(%dma_start3A_131 : memref<10000x64xf32, #tpu.memory_space<hbm>>) target(%arg10 : memref<128x64xf32, #tpu.memory_space<vmem>>) offsets(%dma_start3A_124 : memref<128xi32, #tpu.memory_space<vmem>>) semaphore(%arg18 : memref<!tpu.dma_semaphore, #tpu.memory_space<semaphore_mem>>)
    %dma_start3A_132 = arith.constant 128 : i32
    %dma_start3A_133 = tpu.memref_slice %arg8[%dma_start3A_132] : memref<20000xi32, #tpu.memory_space<vmem>> -> memref<128xi32, #tpu.memory_space<vmem>>
    %dma_start3A_134 = arith.constant 0 : i32
    %dma_start3A_135 = arith.constant 0 : i32
    %dma_start3A_136 = tpu.memref_slice %arg7[%arg0, %dma_start3A_134, %dma_start3A_135] : memref<2x10000x64xf32, #tpu.memory_space<hbm>> -> memref<1x10000x64xf32, #tpu.memory_space<hbm>>
    %dma_start3A_137 = tpu.memref_squeeze %dma_start3A_136 : memref<1x10000x64xf32, #tpu.memory_space<hbm>> -> memref<10000x64xf32, #tpu.memory_space<hbm>>
    %dma_start3A_138 = arith.constant 0 : i32
    %dma_start3A_139 = arith.constant 0 : i32
    %dma_start3A_140 = tpu.memref_slice %dma_start3A_137[%dma_start3A_138, %dma_start3A_139] : memref<10000x64xf32, #tpu.memory_space<hbm>> -> memref<10000x64xf32, #tpu.memory_space<hbm>>
    tpu.enqueue_indirect_dma source(%dma_start3A_140 : memref<10000x64xf32, #tpu.memory_space<hbm>>) target(%arg11 : memref<128x64xf32, #tpu.memory_space<vmem>>) offsets(%dma_start3A_133 : memref<128xi32, #tpu.memory_space<vmem>>) semaphore(%arg19 : memref<!tpu.dma_semaphore, #tpu.memory_space<semaphore_mem>>)
    %dma_start3A_141 = arith.constant 256 : i32
    %dma_start3A_142 = tpu.memref_slice %arg8[%dma_start3A_141] : memref<20000xi32, #tpu.memory_space<vmem>> -> memref<128xi32, #tpu.memory_space<vmem>>
    %dma_start3A_143 = arith.constant 0 : i32
    %dma_start3A_144 = arith.constant 0 : i32
    %dma_start3A_145 = tpu.memref_slice %arg7[%arg0, %dma_start3A_143, %dma_start3A_144] : memref<2x10000x64xf32, #tpu.memory_space<hbm>> -> memref<1x10000x64xf32, #tpu.memory_space<hbm>>
    %dma_start3A_146 = tpu.memref_squeeze %dma_start3A_145 : memref<1x10000x64xf32, #tpu.memory_space<hbm>> -> memref<10000x64xf32, #tpu.memory_space<hbm>>
    %dma_start3A_147 = arith.constant 0 : i32
    %dma_start3A_148 = arith.constant 0 : i32
    %dma_start3A_149 = tpu.memref_slice %dma_start3A_146[%dma_start3A_147, %dma_start3A_148] : memref<10000x64xf32, #tpu.memory_space<hbm>> -> memref<10000x64xf32, #tpu.memory_space<hbm>>
    tpu.enqueue_indirect_dma source(%dma_start3A_149 : memref<10000x64xf32, #tpu.memory_space<hbm>>) target(%arg12 : memref<128x64xf32, #tpu.memory_space<vmem>>) offsets(%dma_start3A_142 : memref<128xi32, #tpu.memory_space<vmem>>) semaphore(%arg20 : memref<!tpu.dma_semaphore, #tpu.memory_space<semaphore_mem>>)
    %dma_start3A_150 = arith.constant 384 : i32
    %dma_start3A_151 = tpu.memref_slice %arg8[%dma_start3A_150] : memref<20000xi32, #tpu.memory_space<vmem>> -> memref<128xi32, #tpu.memory_space<vmem>>
    %dma_start3A_152 = arith.constant 0 : i32
    %dma_start3A_153 = arith.constant 0 : i32
    %dma_start3A_154 = tpu.memref_slice %arg7[%arg0, %dma_start3A_152, %dma_start3A_153] : memref<2x10000x64xf32, #tpu.memory_space<hbm>> -> memref<1x10000x64xf32, #tpu.memory_space<hbm>>
    %dma_start3A_155 = tpu.memref_squeeze %dma_start3A_154 : memref<1x10000x64xf32, #tpu.memory_space<hbm>> -> memref<10000x64xf32, #tpu.memory_space<hbm>>
    %dma_start3A_156 = arith.constant 0 : i32
    %dma_start3A_157 = arith.constant 0 : i32
    %dma_start3A_158 = tpu.memref_slice %dma_start3A_155[%dma_start3A_156, %dma_start3A_157] : memref<10000x64xf32, #tpu.memory_space<hbm>> -> memref<10000x64xf32, #tpu.memory_space<hbm>>
    tpu.enqueue_indirect_dma source(%dma_start3A_158 : memref<10000x64xf32, #tpu.memory_space<hbm>>) target(%arg13 : memref<128x64xf32, #tpu.memory_space<vmem>>) offsets(%dma_start3A_151 : memref<128xi32, #tpu.memory_space<vmem>>) semaphore(%arg21 : memref<!tpu.dma_semaphore, #tpu.memory_space<semaphore_mem>>)
    %scan3A_159 = arith.constant 0 : i32
    %scan3A_160 = arith.constant 39 : i32
    %scan3A_161 = arith.addi %scan3A_159, %scan3A_160 : i32
    %scan3A_162 = arith.constant 1 : i32
    scf.for %scan3A_213 = %scan3A_159 to %scan3A_161 step %scan3A_162  : i32 {
      %mul3A_214 = arith.constant 4 : i32
      %mul3A_215 = arith.muli %scan3A_213, %mul3A_214 : i32
      %add3A_216 = arith.constant 0 : i32
      %add3A_217 = arith.addi %add3A_216, %mul3A_215 : i32
      %dma_wait3A_218 = arith.constant 0 : i32
      %dma_wait3A_219 = tpu.memref_slice %arg8[%dma_wait3A_218] : memref<20000xi32, #tpu.memory_space<vmem>> -> memref<128xi32, #tpu.memory_space<vmem>>
      %dma_wait3A_220 = arith.constant 0 : i32
      %dma_wait3A_221 = arith.constant 0 : i32
      %dma_wait3A_222 = tpu.memref_slice %arg7[%arg0, %dma_wait3A_220, %dma_wait3A_221] : memref<2x10000x64xf32, #tpu.memory_space<hbm>> -> memref<1x10000x64xf32, #tpu.memory_space<hbm>>
      %dma_wait3A_223 = tpu.memref_squeeze %dma_wait3A_222 : memref<1x10000x64xf32, #tpu.memory_space<hbm>> -> memref<10000x64xf32, #tpu.memory_space<hbm>>
      %dma_wait3A_224 = arith.constant 0 : i32
      %dma_wait3A_225 = arith.constant 0 : i32
      %dma_wait3A_226 = tpu.memref_slice %dma_wait3A_223[%dma_wait3A_224, %dma_wait3A_225] : memref<10000x64xf32, #tpu.memory_space<hbm>> -> memref<10000x64xf32, #tpu.memory_space<hbm>>
      tpu.wait_indirect_dma semaphore(%arg18 : memref<!tpu.dma_semaphore, #tpu.memory_space<semaphore_mem>>) src(%dma_wait3A_226 : memref<10000x64xf32, #tpu.memory_space<hbm>>) dst(%arg10 : memref<128x64xf32, #tpu.memory_space<vmem>>)
      %add3A_227 = arith.constant 0 : i32
      %add3A_228 = arith.addi %add3A_217, %add3A_227 : i32
      %mul3A_229 = arith.constant 128 : i32
      %mul3A_230 = arith.muli %add3A_228, %mul3A_229 : i32
      %dma_start3A_231 = tpu.memref_slice %arg9[%mul3A_230] : memref<20000xi32, #tpu.memory_space<vmem>> -> memref<128xi32, #tpu.memory_space<vmem>>
      %dma_start3A_232 = arith.constant 0 : i32
      %dma_start3A_233 = arith.constant 0 : i32
      %dma_start3A_234 = tpu.memref_slice %arg16[%dma_start3A_232, %dma_start3A_233] : memref<10240x64xf32, #tpu.memory_space<vmem_shared>> -> memref<10240x64xf32, #tpu.memory_space<vmem_shared>>
      tpu.enqueue_indirect_dma source(%arg10 : memref<128x64xf32, #tpu.memory_space<vmem>>) target(%dma_start3A_234 : memref<10240x64xf32, #tpu.memory_space<vmem_shared>>) offsets(%dma_start3A_231 : memref<128xi32, #tpu.memory_space<vmem>>) semaphore(%arg22 : memref<!tpu.dma_semaphore, #tpu.memory_space<semaphore_mem>>) {add = true}
      %dma_wait3A_235 = arith.constant 0 : i32
      %dma_wait3A_236 = tpu.memref_slice %arg8[%dma_wait3A_235] : memref<20000xi32, #tpu.memory_space<vmem>> -> memref<128xi32, #tpu.memory_space<vmem>>
      %dma_wait3A_237 = arith.constant 0 : i32
      %dma_wait3A_238 = arith.constant 0 : i32
      %dma_wait3A_239 = tpu.memref_slice %arg7[%arg0, %dma_wait3A_237, %dma_wait3A_238] : memref<2x10000x64xf32, #tpu.memory_space<hbm>> -> memref<1x10000x64xf32, #tpu.memory_space<hbm>>
      %dma_wait3A_240 = tpu.memref_squeeze %dma_wait3A_239 : memref<1x10000x64xf32, #tpu.memory_space<hbm>> -> memref<10000x64xf32, #tpu.memory_space<hbm>>
      %dma_wait3A_241 = arith.constant 0 : i32
      %dma_wait3A_242 = arith.constant 0 : i32
      %dma_wait3A_243 = tpu.memref_slice %dma_wait3A_240[%dma_wait3A_241, %dma_wait3A_242] : memref<10000x64xf32, #tpu.memory_space<hbm>> -> memref<10000x64xf32, #tpu.memory_space<hbm>>
      tpu.wait_indirect_dma semaphore(%arg19 : memref<!tpu.dma_semaphore, #tpu.memory_space<semaphore_mem>>) src(%dma_wait3A_243 : memref<10000x64xf32, #tpu.memory_space<hbm>>) dst(%arg11 : memref<128x64xf32, #tpu.memory_space<vmem>>)
      %add3A_244 = arith.constant 1 : i32
      %add3A_245 = arith.addi %add3A_217, %add3A_244 : i32
      %mul3A_246 = arith.constant 128 : i32
      %mul3A_247 = arith.muli %add3A_245, %mul3A_246 : i32
      %dma_start3A_248 = tpu.memref_slice %arg9[%mul3A_247] : memref<20000xi32, #tpu.memory_space<vmem>> -> memref<128xi32, #tpu.memory_space<vmem>>
      %dma_start3A_249 = arith.constant 0 : i32
      %dma_start3A_250 = arith.constant 0 : i32
      %dma_start3A_251 = tpu.memref_slice %arg16[%dma_start3A_249, %dma_start3A_250] : memref<10240x64xf32, #tpu.memory_space<vmem_shared>> -> memref<10240x64xf32, #tpu.memory_space<vmem_shared>>
      tpu.enqueue_indirect_dma source(%arg11 : memref<128x64xf32, #tpu.memory_space<vmem>>) target(%dma_start3A_251 : memref<10240x64xf32, #tpu.memory_space<vmem_shared>>) offsets(%dma_start3A_248 : memref<128xi32, #tpu.memory_space<vmem>>) semaphore(%arg23 : memref<!tpu.dma_semaphore, #tpu.memory_space<semaphore_mem>>) {add = true}
      %dma_wait3A_252 = arith.constant 0 : i32
      %dma_wait3A_253 = tpu.memref_slice %arg8[%dma_wait3A_252] : memref<20000xi32, #tpu.memory_space<vmem>> -> memref<128xi32, #tpu.memory_space<vmem>>
      %dma_wait3A_254 = arith.constant 0 : i32
      %dma_wait3A_255 = arith.constant 0 : i32
      %dma_wait3A_256 = tpu.memref_slice %arg7[%arg0, %dma_wait3A_254, %dma_wait3A_255] : memref<2x10000x64xf32, #tpu.memory_space<hbm>> -> memref<1x10000x64xf32, #tpu.memory_space<hbm>>
      %dma_wait3A_257 = tpu.memref_squeeze %dma_wait3A_256 : memref<1x10000x64xf32, #tpu.memory_space<hbm>> -> memref<10000x64xf32, #tpu.memory_space<hbm>>
      %dma_wait3A_258 = arith.constant 0 : i32
      %dma_wait3A_259 = arith.constant 0 : i32
      %dma_wait3A_260 = tpu.memref_slice %dma_wait3A_257[%dma_wait3A_258, %dma_wait3A_259] : memref<10000x64xf32, #tpu.memory_space<hbm>> -> memref<10000x64xf32, #tpu.memory_space<hbm>>
      tpu.wait_indirect_dma semaphore(%arg20 : memref<!tpu.dma_semaphore, #tpu.memory_space<semaphore_mem>>) src(%dma_wait3A_260 : memref<10000x64xf32, #tpu.memory_space<hbm>>) dst(%arg12 : memref<128x64xf32, #tpu.memory_space<vmem>>)
      %add3A_261 = arith.constant 2 : i32
      %add3A_262 = arith.addi %add3A_217, %add3A_261 : i32
      %mul3A_263 = arith.constant 128 : i32
      %mul3A_264 = arith.muli %add3A_262, %mul3A_263 : i32
      %dma_start3A_265 = tpu.memref_slice %arg9[%mul3A_264] : memref<20000xi32, #tpu.memory_space<vmem>> -> memref<128xi32, #tpu.memory_space<vmem>>
      %dma_start3A_266 = arith.constant 0 : i32
      %dma_start3A_267 = arith.constant 0 : i32
      %dma_start3A_268 = tpu.memref_slice %arg16[%dma_start3A_266, %dma_start3A_267] : memref<10240x64xf32, #tpu.memory_space<vmem_shared>> -> memref<10240x64xf32, #tpu.memory_space<vmem_shared>>
      tpu.enqueue_indirect_dma source(%arg12 : memref<128x64xf32, #tpu.memory_space<vmem>>) target(%dma_start3A_268 : memref<10240x64xf32, #tpu.memory_space<vmem_shared>>) offsets(%dma_start3A_265 : memref<128xi32, #tpu.memory_space<vmem>>) semaphore(%arg24 : memref<!tpu.dma_semaphore, #tpu.memory_space<semaphore_mem>>) {add = true}
      %dma_wait3A_269 = arith.constant 0 : i32
      %dma_wait3A_270 = tpu.memref_slice %arg8[%dma_wait3A_269] : memref<20000xi32, #tpu.memory_space<vmem>> -> memref<128xi32, #tpu.memory_space<vmem>>
      %dma_wait3A_271 = arith.constant 0 : i32
      %dma_wait3A_272 = arith.constant 0 : i32
      %dma_wait3A_273 = tpu.memref_slice %arg7[%arg0, %dma_wait3A_271, %dma_wait3A_272] : memref<2x10000x64xf32, #tpu.memory_space<hbm>> -> memref<1x10000x64xf32, #tpu.memory_space<hbm>>
      %dma_wait3A_274 = tpu.memref_squeeze %dma_wait3A_273 : memref<1x10000x64xf32, #tpu.memory_space<hbm>> -> memref<10000x64xf32, #tpu.memory_space<hbm>>
      %dma_wait3A_275 = arith.constant 0 : i32
      %dma_wait3A_276 = arith.constant 0 : i32
      %dma_wait3A_277 = tpu.memref_slice %dma_wait3A_274[%dma_wait3A_275, %dma_wait3A_276] : memref<10000x64xf32, #tpu.memory_space<hbm>> -> memref<10000x64xf32, #tpu.memory_space<hbm>>
      tpu.wait_indirect_dma semaphore(%arg21 : memref<!tpu.dma_semaphore, #tpu.memory_space<semaphore_mem>>) src(%dma_wait3A_277 : memref<10000x64xf32, #tpu.memory_space<hbm>>) dst(%arg13 : memref<128x64xf32, #tpu.memory_space<vmem>>)
      %add3A_278 = arith.constant 3 : i32
      %add3A_279 = arith.addi %add3A_217, %add3A_278 : i32
      %mul3A_280 = arith.constant 128 : i32
      %mul3A_281 = arith.muli %add3A_279, %mul3A_280 : i32
      %dma_start3A_282 = tpu.memref_slice %arg9[%mul3A_281] : memref<20000xi32, #tpu.memory_space<vmem>> -> memref<128xi32, #tpu.memory_space<vmem>>
      %dma_start3A_283 = arith.constant 0 : i32
      %dma_start3A_284 = arith.constant 0 : i32
      %dma_start3A_285 = tpu.memref_slice %arg16[%dma_start3A_283, %dma_start3A_284] : memref<10240x64xf32, #tpu.memory_space<vmem_shared>> -> memref<10240x64xf32, #tpu.memory_space<vmem_shared>>
      tpu.enqueue_indirect_dma source(%arg13 : memref<128x64xf32, #tpu.memory_space<vmem>>) target(%dma_start3A_285 : memref<10240x64xf32, #tpu.memory_space<vmem_shared>>) offsets(%dma_start3A_282 : memref<128xi32, #tpu.memory_space<vmem>>) semaphore(%arg25 : memref<!tpu.dma_semaphore, #tpu.memory_space<semaphore_mem>>) {add = true}
      %add3A_286 = arith.constant 0 : i32
      %add3A_287 = arith.addi %add3A_217, %add3A_286 : i32
      %mul3A_288 = arith.constant 128 : i32
      %mul3A_289 = arith.muli %add3A_287, %mul3A_288 : i32
      %add3A_290 = arith.constant 0 : i32
      %add3A_291 = arith.addi %mul3A_289, %add3A_290 : i32
      %get3A_292 = arith.index_cast %add3A_291 : i32 to index
      %get3A_293 = tpu.vector_load %arg9[%get3A_292] {strides = array<i32>} : memref<20000xi32, #tpu.memory_space<vmem>>, vector<16xi32>,
      %shift_right_arithmetic3A_294 = arith.constant 7 : i32
      %shift_right_arithmetic3A_295 = vector.broadcast %shift_right_arithmetic3A_294 : i32 to vector<16xi32>
      %shift_right_arithmetic3A_296 = arith.shrsi %get3A_293, %shift_right_arithmetic3A_295 : vector<16xi32>
      %and3A_297 = arith.constant 127 : i32
      %and3A_298 = vector.broadcast %and3A_297 : i32 to vector<16xi32>
      %and3A_299 = arith.andi %get3A_293, %and3A_298 : vector<16xi32>
      tpu.vector_store_idx %arg14[%shift_right_arithmetic3A_296, %and3A_299], %broadcast_in_dim3A_0 {add = true} : memref<80x128xf32, #tpu.memory_space<vmem>>[vector<16xi32>, vector<16xi32>], vector<16xf32>,
      %add3A_300 = arith.constant 16 : i32
      %add3A_301 = arith.addi %mul3A_289, %add3A_300 : i32
      %get3A_302 = arith.index_cast %add3A_301 : i32 to index
      %get3A_303 = tpu.vector_load %arg9[%get3A_302] {strides = array<i32>} : memref<20000xi32, #tpu.memory_space<vmem>>, vector<16xi32>,
      %shift_right_arithmetic3A_304 = arith.constant 7 : i32
      %shift_right_arithmetic3A_305 = vector.broadcast %shift_right_arithmetic3A_304 : i32 to vector<16xi32>
      %shift_right_arithmetic3A_306 = arith.shrsi %get3A_303, %shift_right_arithmetic3A_305 : vector<16xi32>
      %and3A_307 = arith.constant 127 : i32
      %and3A_308 = vector.broadcast %and3A_307 : i32 to vector<16xi32>
      %and3A_309 = arith.andi %get3A_303, %and3A_308 : vector<16xi32>
      tpu.vector_store_idx %arg14[%shift_right_arithmetic3A_306, %and3A_309], %broadcast_in_dim3A_0 {add = true} : memref<80x128xf32, #tpu.memory_space<vmem>>[vector<16xi32>, vector<16xi32>], vector<16xf32>,
      %add3A_310 = arith.constant 32 : i32
      %add3A_311 = arith.addi %mul3A_289, %add3A_310 : i32
      %get3A_312 = arith.index_cast %add3A_311 : i32 to index
      %get3A_313 = tpu.vector_load %arg9[%get3A_312] {strides = array<i32>} : memref<20000xi32, #tpu.memory_space<vmem>>, vector<16xi32>,
      %shift_right_arithmetic3A_314 = arith.constant 7 : i32
      %shift_right_arithmetic3A_315 = vector.broadcast %shift_right_arithmetic3A_314 : i32 to vector<16xi32>
      %shift_right_arithmetic3A_316 = arith.shrsi %get3A_313, %shift_right_arithmetic3A_315 : vector<16xi32>
      %and3A_317 = arith.constant 127 : i32
      %and3A_318 = vector.broadcast %and3A_317 : i32 to vector<16xi32>
      %and3A_319 = arith.andi %get3A_313, %and3A_318 : vector<16xi32>
      tpu.vector_store_idx %arg14[%shift_right_arithmetic3A_316, %and3A_319], %broadcast_in_dim3A_0 {add = true} : memref<80x128xf32, #tpu.memory_space<vmem>>[vector<16xi32>, vector<16xi32>], vector<16xf32>,
      %add3A_320 = arith.constant 48 : i32
      %add3A_321 = arith.addi %mul3A_289, %add3A_320 : i32
      %get3A_322 = arith.index_cast %add3A_321 : i32 to index
      %get3A_323 = tpu.vector_load %arg9[%get3A_322] {strides = array<i32>} : memref<20000xi32, #tpu.memory_space<vmem>>, vector<16xi32>,
      %shift_right_arithmetic3A_324 = arith.constant 7 : i32
      %shift_right_arithmetic3A_325 = vector.broadcast %shift_right_arithmetic3A_324 : i32 to vector<16xi32>
      %shift_right_arithmetic3A_326 = arith.shrsi %get3A_323, %shift_right_arithmetic3A_325 : vector<16xi32>
      %and3A_327 = arith.constant 127 : i32
      %and3A_328 = vector.broadcast %and3A_327 : i32 to vector<16xi32>
      %and3A_329 = arith.andi %get3A_323, %and3A_328 : vector<16xi32>
      tpu.vector_store_idx %arg14[%shift_right_arithmetic3A_326, %and3A_329], %broadcast_in_dim3A_0 {add = true} : memref<80x128xf32, #tpu.memory_space<vmem>>[vector<16xi32>, vector<16xi32>], vector<16xf32>,
      %add3A_330 = arith.constant 64 : i32
      %add3A_331 = arith.addi %mul3A_289, %add3A_330 : i32
      %get3A_332 = arith.index_cast %add3A_331 : i32 to index
      %get3A_333 = tpu.vector_load %arg9[%get3A_332] {strides = array<i32>} : memref<20000xi32, #tpu.memory_space<vmem>>, vector<16xi32>,
      %shift_right_arithmetic3A_334 = arith.constant 7 : i32
      %shift_right_arithmetic3A_335 = vector.broadcast %shift_right_arithmetic3A_334 : i32 to vector<16xi32>
      %shift_right_arithmetic3A_336 = arith.shrsi %get3A_333, %shift_right_arithmetic3A_335 : vector<16xi32>
      %and3A_337 = arith.constant 127 : i32
      %and3A_338 = vector.broadcast %and3A_337 : i32 to vector<16xi32>
      %and3A_339 = arith.andi %get3A_333, %and3A_338 : vector<16xi32>
      tpu.vector_store_idx %arg14[%shift_right_arithmetic3A_336, %and3A_339], %broadcast_in_dim3A_0 {add = true} : memref<80x128xf32, #tpu.memory_space<vmem>>[vector<16xi32>, vector<16xi32>], vector<16xf32>,
      %add3A_340 = arith.constant 80 : i32
      %add3A_341 = arith.addi %mul3A_289, %add3A_340 : i32
      %get3A_342 = arith.index_cast %add3A_341 : i32 to index
      %get3A_343 = tpu.vector_load %arg9[%get3A_342] {strides = array<i32>} : memref<20000xi32, #tpu.memory_space<vmem>>, vector<16xi32>,
      %shift_right_arithmetic3A_344 = arith.constant 7 : i32
      %shift_right_arithmetic3A_345 = vector.broadcast %shift_right_arithmetic3A_344 : i32 to vector<16xi32>
      %shift_right_arithmetic3A_346 = arith.shrsi %get3A_343, %shift_right_arithmetic3A_345 : vector<16xi32>
      %and3A_347 = arith.constant 127 : i32
      %and3A_348 = vector.broadcast %and3A_347 : i32 to vector<16xi32>
      %and3A_349 = arith.andi %get3A_343, %and3A_348 : vector<16xi32>
      tpu.vector_store_idx %arg14[%shift_right_arithmetic3A_346, %and3A_349], %broadcast_in_dim3A_0 {add = true} : memref<80x128xf32, #tpu.memory_space<vmem>>[vector<16xi32>, vector<16xi32>], vector<16xf32>,
      %add3A_350 = arith.constant 96 : i32
      %add3A_351 = arith.addi %mul3A_289, %add3A_350 : i32
      %get3A_352 = arith.index_cast %add3A_351 : i32 to index
      %get3A_353 = tpu.vector_load %arg9[%get3A_352] {strides = array<i32>} : memref<20000xi32, #tpu.memory_space<vmem>>, vector<16xi32>,
      %shift_right_arithmetic3A_354 = arith.constant 7 : i32
      %shift_right_arithmetic3A_355 = vector.broadcast %shift_right_arithmetic3A_354 : i32 to vector<16xi32>
      %shift_right_arithmetic3A_356 = arith.shrsi %get3A_353, %shift_right_arithmetic3A_355 : vector<16xi32>
      %and3A_357 = arith.constant 127 : i32
      %and3A_358 = vector.broadcast %and3A_357 : i32 to vector<16xi32>
      %and3A_359 = arith.andi %get3A_353, %and3A_358 : vector<16xi32>
      tpu.vector_store_idx %arg14[%shift_right_arithmetic3A_356, %and3A_359], %broadcast_in_dim3A_0 {add = true} : memref<80x128xf32, #tpu.memory_space<vmem>>[vector<16xi32>, vector<16xi32>], vector<16xf32>,
      %add3A_360 = arith.constant 112 : i32
      %add3A_361 = arith.addi %mul3A_289, %add3A_360 : i32
      %get3A_362 = arith.index_cast %add3A_361 : i32 to index
      %get3A_363 = tpu.vector_load %arg9[%get3A_362] {strides = array<i32>} : memref<20000xi32, #tpu.memory_space<vmem>>, vector<16xi32>,
      %shift_right_arithmetic3A_364 = arith.constant 7 : i32
      %shift_right_arithmetic3A_365 = vector.broadcast %shift_right_arithmetic3A_364 : i32 to vector<16xi32>
      %shift_right_arithmetic3A_366 = arith.shrsi %get3A_363, %shift_right_arithmetic3A_365 : vector<16xi32>
      %and3A_367 = arith.constant 127 : i32
      %and3A_368 = vector.broadcast %and3A_367 : i32 to vector<16xi32>
      %and3A_369 = arith.andi %get3A_363, %and3A_368 : vector<16xi32>
      tpu.vector_store_idx %arg14[%shift_right_arithmetic3A_366, %and3A_369], %broadcast_in_dim3A_0 {add = true} : memref<80x128xf32, #tpu.memory_space<vmem>>[vector<16xi32>, vector<16xi32>], vector<16xf32>,
      %add3A_370 = arith.constant 1 : i32
      %add3A_371 = arith.addi %add3A_217, %add3A_370 : i32
      %mul3A_372 = arith.constant 128 : i32
      %mul3A_373 = arith.muli %add3A_371, %mul3A_372 : i32
      %add3A_374 = arith.constant 0 : i32
      %add3A_375 = arith.addi %mul3A_373, %add3A_374 : i32
      %get3A_376 = arith.index_cast %add3A_375 : i32 to index
      %get3A_377 = tpu.vector_load %arg9[%get3A_376] {strides = array<i32>} : memref<20000xi32, #tpu.memory_space<vmem>>, vector<16xi32>,
      %shift_right_arithmetic3A_378 = arith.constant 7 : i32
      %shift_right_arithmetic3A_379 = vector.broadcast %shift_right_arithmetic3A_378 : i32 to vector<16xi32>
      %shift_right_arithmetic3A_380 = arith.shrsi %get3A_377, %shift_right_arithmetic3A_379 : vector<16xi32>
      %and3A_381 = arith.constant 127 : i32
      %and3A_382 = vector.broadcast %and3A_381 : i32 to vector<16xi32>
      %and3A_383 = arith.andi %get3A_377, %and3A_382 : vector<16xi32>
      tpu.vector_store_idx %arg14[%shift_right_arithmetic3A_380, %and3A_383], %broadcast_in_dim3A_0 {add = true} : memref<80x128xf32, #tpu.memory_space<vmem>>[vector<16xi32>, vector<16xi32>], vector<16xf32>,
      %add3A_384 = arith.constant 16 : i32
      %add3A_385 = arith.addi %mul3A_373, %add3A_384 : i32
      %get3A_386 = arith.index_cast %add3A_385 : i32 to index
      %get3A_387 = tpu.vector_load %arg9[%get3A_386] {strides = array<i32>} : memref<20000xi32, #tpu.memory_space<vmem>>, vector<16xi32>,
      %shift_right_arithmetic3A_388 = arith.constant 7 : i32
      %shift_right_arithmetic3A_389 = vector.broadcast %shift_right_arithmetic3A_388 : i32 to vector<16xi32>
      %shift_right_arithmetic3A_390 = arith.shrsi %get3A_387, %shift_right_arithmetic3A_389 : vector<16xi32>
      %and3A_391 = arith.constant 127 : i32
      %and3A_392 = vector.broadcast %and3A_391 : i32 to vector<16xi32>
      %and3A_393 = arith.andi %get3A_387, %and3A_392 : vector<16xi32>
      tpu.vector_store_idx %arg14[%shift_right_arithmetic3A_390, %and3A_393], %broadcast_in_dim3A_0 {add = true} : memref<80x128xf32, #tpu.memory_space<vmem>>[vector<16xi32>, vector<16xi32>], vector<16xf32>,
      %add3A_394 = arith.constant 32 : i32
      %add3A_395 = arith.addi %mul3A_373, %add3A_394 : i32
      %get3A_396 = arith.index_cast %add3A_395 : i32 to index
      %get3A_397 = tpu.vector_load %arg9[%get3A_396] {strides = array<i32>} : memref<20000xi32, #tpu.memory_space<vmem>>, vector<16xi32>,
      %shift_right_arithmetic3A_398 = arith.constant 7 : i32
      %shift_right_arithmetic3A_399 = vector.broadcast %shift_right_arithmetic3A_398 : i32 to vector<16xi32>
      %shift_right_arithmetic3A_400 = arith.shrsi %get3A_397, %shift_right_arithmetic3A_399 : vector<16xi32>
      %and3A_401 = arith.constant 127 : i32
      %and3A_402 = vector.broadcast %and3A_401 : i32 to vector<16xi32>
      %and3A_403 = arith.andi %get3A_397, %and3A_402 : vector<16xi32>
      tpu.vector_store_idx %arg14[%shift_right_arithmetic3A_400, %and3A_403], %broadcast_in_dim3A_0 {add = true} : memref<80x128xf32, #tpu.memory_space<vmem>>[vector<16xi32>, vector<16xi32>], vector<16xf32>,
      %add3A_404 = arith.constant 48 : i32
      %add3A_405 = arith.addi %mul3A_373, %add3A_404 : i32
      %get3A_406 = arith.index_cast %add3A_405 : i32 to index
      %get3A_407 = tpu.vector_load %arg9[%get3A_406] {strides = array<i32>} : memref<20000xi32, #tpu.memory_space<vmem>>, vector<16xi32>,
      %shift_right_arithmetic3A_408 = arith.constant 7 : i32
      %shift_right_arithmetic3A_409 = vector.broadcast %shift_right_arithmetic3A_408 : i32 to vector<16xi32>
      %shift_right_arithmetic3A_410 = arith.shrsi %get3A_407, %shift_right_arithmetic3A_409 : vector<16xi32>
      %and3A_411 = arith.constant 127 : i32
      %and3A_412 = vector.broadcast %and3A_411 : i32 to vector<16xi32>
      %and3A_413 = arith.andi %get3A_407, %and3A_412 : vector<16xi32>
      tpu.vector_store_idx %arg14[%shift_right_arithmetic3A_410, %and3A_413], %broadcast_in_dim3A_0 {add = true} : memref<80x128xf32, #tpu.memory_space<vmem>>[vector<16xi32>, vector<16xi32>], vector<16xf32>,
      %add3A_414 = arith.constant 64 : i32
      %add3A_415 = arith.addi %mul3A_373, %add3A_414 : i32
      %get3A_416 = arith.index_cast %add3A_415 : i32 to index
      %get3A_417 = tpu.vector_load %arg9[%get3A_416] {strides = array<i32>} : memref<20000xi32, #tpu.memory_space<vmem>>, vector<16xi32>,
      %shift_right_arithmetic3A_418 = arith.constant 7 : i32
      %shift_right_arithmetic3A_419 = vector.broadcast %shift_right_arithmetic3A_418 : i32 to vector<16xi32>
      %shift_right_arithmetic3A_420 = arith.shrsi %get3A_417, %shift_right_arithmetic3A_419 : vector<16xi32>
      %and3A_421 = arith.constant 127 : i32
      %and3A_422 = vector.broadcast %and3A_421 : i32 to vector<16xi32>
      %and3A_423 = arith.andi %get3A_417, %and3A_422 : vector<16xi32>
      tpu.vector_store_idx %arg14[%shift_right_arithmetic3A_420, %and3A_423], %broadcast_in_dim3A_0 {add = true} : memref<80x128xf32, #tpu.memory_space<vmem>>[vector<16xi32>, vector<16xi32>], vector<16xf32>,
      %add3A_424 = arith.constant 80 : i32
      %add3A_425 = arith.addi %mul3A_373, %add3A_424 : i32
      %get3A_426 = arith.index_cast %add3A_425 : i32 to index
      %get3A_427 = tpu.vector_load %arg9[%get3A_426] {strides = array<i32>} : memref<20000xi32, #tpu.memory_space<vmem>>, vector<16xi32>,
      %shift_right_arithmetic3A_428 = arith.constant 7 : i32
      %shift_right_arithmetic3A_429 = vector.broadcast %shift_right_arithmetic3A_428 : i32 to vector<16xi32>
      %shift_right_arithmetic3A_430 = arith.shrsi %get3A_427, %shift_right_arithmetic3A_429 : vector<16xi32>
      %and3A_431 = arith.constant 127 : i32
      %and3A_432 = vector.broadcast %and3A_431 : i32 to vector<16xi32>
      %and3A_433 = arith.andi %get3A_427, %and3A_432 : vector<16xi32>
      tpu.vector_store_idx %arg14[%shift_right_arithmetic3A_430, %and3A_433], %broadcast_in_dim3A_0 {add = true} : memref<80x128xf32, #tpu.memory_space<vmem>>[vector<16xi32>, vector<16xi32>], vector<16xf32>,
      %add3A_434 = arith.constant 96 : i32
      %add3A_435 = arith.addi %mul3A_373, %add3A_434 : i32
      %get3A_436 = arith.index_cast %add3A_435 : i32 to index
      %get3A_437 = tpu.vector_load %arg9[%get3A_436] {strides = array<i32>} : memref<20000xi32, #tpu.memory_space<vmem>>, vector<16xi32>,
      %shift_right_arithmetic3A_438 = arith.constant 7 : i32
      %shift_right_arithmetic3A_439 = vector.broadcast %shift_right_arithmetic3A_438 : i32 to vector<16xi32>
      %shift_right_arithmetic3A_440 = arith.shrsi %get3A_437, %shift_right_arithmetic3A_439 : vector<16xi32>
      %and3A_441 = arith.constant 127 : i32
      %and3A_442 = vector.broadcast %and3A_441 : i32 to vector<16xi32>
      %and3A_443 = arith.andi %get3A_437, %and3A_442 : vector<16xi32>
      tpu.vector_store_idx %arg14[%shift_right_arithmetic3A_440, %and3A_443], %broadcast_in_dim3A_0 {add = true} : memref<80x128xf32, #tpu.memory_space<vmem>>[vector<16xi32>, vector<16xi32>], vector<16xf32>,
      %add3A_444 = arith.constant 112 : i32
      %add3A_445 = arith.addi %mul3A_373, %add3A_444 : i32
      %get3A_446 = arith.index_cast %add3A_445 : i32 to index
      %get3A_447 = tpu.vector_load %arg9[%get3A_446] {strides = array<i32>} : memref<20000xi32, #tpu.memory_space<vmem>>, vector<16xi32>,
      %shift_right_arithmetic3A_448 = arith.constant 7 : i32
      %shift_right_arithmetic3A_449 = vector.broadcast %shift_right_arithmetic3A_448 : i32 to vector<16xi32>
      %shift_right_arithmetic3A_450 = arith.shrsi %get3A_447, %shift_right_arithmetic3A_449 : vector<16xi32>
      %and3A_451 = arith.constant 127 : i32
      %and3A_452 = vector.broadcast %and3A_451 : i32 to vector<16xi32>
      %and3A_453 = arith.andi %get3A_447, %and3A_452 : vector<16xi32>
      tpu.vector_store_idx %arg14[%shift_right_arithmetic3A_450, %and3A_453], %broadcast_in_dim3A_0 {add = true} : memref<80x128xf32, #tpu.memory_space<vmem>>[vector<16xi32>, vector<16xi32>], vector<16xf32>,
      %add3A_454 = arith.constant 2 : i32
      %add3A_455 = arith.addi %add3A_217, %add3A_454 : i32
      %mul3A_456 = arith.constant 128 : i32
      %mul3A_457 = arith.muli %add3A_455, %mul3A_456 : i32
      %add3A_458 = arith.constant 0 : i32
      %add3A_459 = arith.addi %mul3A_457, %add3A_458 : i32
      %get3A_460 = arith.index_cast %add3A_459 : i32 to index
      %get3A_461 = tpu.vector_load %arg9[%get3A_460] {strides = array<i32>} : memref<20000xi32, #tpu.memory_space<vmem>>, vector<16xi32>,
      %shift_right_arithmetic3A_462 = arith.constant 7 : i32
      %shift_right_arithmetic3A_463 = vector.broadcast %shift_right_arithmetic3A_462 : i32 to vector<16xi32>
      %shift_right_arithmetic3A_464 = arith.shrsi %get3A_461, %shift_right_arithmetic3A_463 : vector<16xi32>
      %and3A_465 = arith.constant 127 : i32
      %and3A_466 = vector.broadcast %and3A_465 : i32 to vector<16xi32>
      %and3A_467 = arith.andi %get3A_461, %and3A_466 : vector<16xi32>
      tpu.vector_store_idx %arg14[%shift_right_arithmetic3A_464, %and3A_467], %broadcast_in_dim3A_0 {add = true} : memref<80x128xf32, #tpu.memory_space<vmem>>[vector<16xi32>, vector<16xi32>], vector<16xf32>,
      %add3A_468 = arith.constant 16 : i32
      %add3A_469 = arith.addi %mul3A_457, %add3A_468 : i32
      %get3A_470 = arith.index_cast %add3A_469 : i32 to index
      %get3A_471 = tpu.vector_load %arg9[%get3A_470] {strides = array<i32>} : memref<20000xi32, #tpu.memory_space<vmem>>, vector<16xi32>,
      %shift_right_arithmetic3A_472 = arith.constant 7 : i32
      %shift_right_arithmetic3A_473 = vector.broadcast %shift_right_arithmetic3A_472 : i32 to vector<16xi32>
      %shift_right_arithmetic3A_474 = arith.shrsi %get3A_471, %shift_right_arithmetic3A_473 : vector<16xi32>
      %and3A_475 = arith.constant 127 : i32
      %and3A_476 = vector.broadcast %and3A_475 : i32 to vector<16xi32>
      %and3A_477 = arith.andi %get3A_471, %and3A_476 : vector<16xi32>
      tpu.vector_store_idx %arg14[%shift_right_arithmetic3A_474, %and3A_477], %broadcast_in_dim3A_0 {add = true} : memref<80x128xf32, #tpu.memory_space<vmem>>[vector<16xi32>, vector<16xi32>], vector<16xf32>,
      %add3A_478 = arith.constant 32 : i32
      %add3A_479 = arith.addi %mul3A_457, %add3A_478 : i32
      %get3A_480 = arith.index_cast %add3A_479 : i32 to index
      %get3A_481 = tpu.vector_load %arg9[%get3A_480] {strides = array<i32>} : memref<20000xi32, #tpu.memory_space<vmem>>, vector<16xi32>,
      %shift_right_arithmetic3A_482 = arith.constant 7 : i32
      %shift_right_arithmetic3A_483 = vector.broadcast %shift_right_arithmetic3A_482 : i32 to vector<16xi32>
      %shift_right_arithmetic3A_484 = arith.shrsi %get3A_481, %shift_right_arithmetic3A_483 : vector<16xi32>
      %and3A_485 = arith.constant 127 : i32
      %and3A_486 = vector.broadcast %and3A_485 : i32 to vector<16xi32>
      %and3A_487 = arith.andi %get3A_481, %and3A_486 : vector<16xi32>
      tpu.vector_store_idx %arg14[%shift_right_arithmetic3A_484, %and3A_487], %broadcast_in_dim3A_0 {add = true} : memref<80x128xf32, #tpu.memory_space<vmem>>[vector<16xi32>, vector<16xi32>], vector<16xf32>,
      %add3A_488 = arith.constant 48 : i32
      %add3A_489 = arith.addi %mul3A_457, %add3A_488 : i32
      %get3A_490 = arith.index_cast %add3A_489 : i32 to index
      %get3A_491 = tpu.vector_load %arg9[%get3A_490] {strides = array<i32>} : memref<20000xi32, #tpu.memory_space<vmem>>, vector<16xi32>,
      %shift_right_arithmetic3A_492 = arith.constant 7 : i32
      %shift_right_arithmetic3A_493 = vector.broadcast %shift_right_arithmetic3A_492 : i32 to vector<16xi32>
      %shift_right_arithmetic3A_494 = arith.shrsi %get3A_491, %shift_right_arithmetic3A_493 : vector<16xi32>
      %and3A_495 = arith.constant 127 : i32
      %and3A_496 = vector.broadcast %and3A_495 : i32 to vector<16xi32>
      %and3A_497 = arith.andi %get3A_491, %and3A_496 : vector<16xi32>
      tpu.vector_store_idx %arg14[%shift_right_arithmetic3A_494, %and3A_497], %broadcast_in_dim3A_0 {add = true} : memref<80x128xf32, #tpu.memory_space<vmem>>[vector<16xi32>, vector<16xi32>], vector<16xf32>,
      %add3A_498 = arith.constant 64 : i32
      %add3A_499 = arith.addi %mul3A_457, %add3A_498 : i32
      %get3A_500 = arith.index_cast %add3A_499 : i32 to index
      %get3A_501 = tpu.vector_load %arg9[%get3A_500] {strides = array<i32>} : memref<20000xi32, #tpu.memory_space<vmem>>, vector<16xi32>,
      %shift_right_arithmetic3A_502 = arith.constant 7 : i32
      %shift_right_arithmetic3A_503 = vector.broadcast %shift_right_arithmetic3A_502 : i32 to vector<16xi32>
      %shift_right_arithmetic3A_504 = arith.shrsi %get3A_501, %shift_right_arithmetic3A_503 : vector<16xi32>
      %and3A_505 = arith.constant 127 : i32
      %and3A_506 = vector.broadcast %and3A_505 : i32 to vector<16xi32>
      %and3A_507 = arith.andi %get3A_501, %and3A_506 : vector<16xi32>
      tpu.vector_store_idx %arg14[%shift_right_arithmetic3A_504, %and3A_507], %broadcast_in_dim3A_0 {add = true} : memref<80x128xf32, #tpu.memory_space<vmem>>[vector<16xi32>, vector<16xi32>], vector<16xf32>,
      %add3A_508 = arith.constant 80 : i32
      %add3A_509 = arith.addi %mul3A_457, %add3A_508 : i32
      %get3A_510 = arith.index_cast %add3A_509 : i32 to index
      %get3A_511 = tpu.vector_load %arg9[%get3A_510] {strides = array<i32>} : memref<20000xi32, #tpu.memory_space<vmem>>, vector<16xi32>,
      %shift_right_arithmetic3A_512 = arith.constant 7 : i32
      %shift_right_arithmetic3A_513 = vector.broadcast %shift_right_arithmetic3A_512 : i32 to vector<16xi32>
      %shift_right_arithmetic3A_514 = arith.shrsi %get3A_511, %shift_right_arithmetic3A_513 : vector<16xi32>
      %and3A_515 = arith.constant 127 : i32
      %and3A_516 = vector.broadcast %and3A_515 : i32 to vector<16xi32>
      %and3A_517 = arith.andi %get3A_511, %and3A_516 : vector<16xi32>
      tpu.vector_store_idx %arg14[%shift_right_arithmetic3A_514, %and3A_517], %broadcast_in_dim3A_0 {add = true} : memref<80x128xf32, #tpu.memory_space<vmem>>[vector<16xi32>, vector<16xi32>], vector<16xf32>,
      %add3A_518 = arith.constant 96 : i32
      %add3A_519 = arith.addi %mul3A_457, %add3A_518 : i32
      %get3A_520 = arith.index_cast %add3A_519 : i32 to index
      %get3A_521 = tpu.vector_load %arg9[%get3A_520] {strides = array<i32>} : memref<20000xi32, #tpu.memory_space<vmem>>, vector<16xi32>,
      %shift_right_arithmetic3A_522 = arith.constant 7 : i32
      %shift_right_arithmetic3A_523 = vector.broadcast %shift_right_arithmetic3A_522 : i32 to vector<16xi32>
      %shift_right_arithmetic3A_524 = arith.shrsi %get3A_521, %shift_right_arithmetic3A_523 : vector<16xi32>
      %and3A_525 = arith.constant 127 : i32
      %and3A_526 = vector.broadcast %and3A_525 : i32 to vector<16xi32>
      %and3A_527 = arith.andi %get3A_521, %and3A_526 : vector<16xi32>
      tpu.vector_store_idx %arg14[%shift_right_arithmetic3A_524, %and3A_527], %broadcast_in_dim3A_0 {add = true} : memref<80x128xf32, #tpu.memory_space<vmem>>[vector<16xi32>, vector<16xi32>], vector<16xf32>,
      %add3A_528 = arith.constant 112 : i32
      %add3A_529 = arith.addi %mul3A_457, %add3A_528 : i32
      %get3A_530 = arith.index_cast %add3A_529 : i32 to index
      %get3A_531 = tpu.vector_load %arg9[%get3A_530] {strides = array<i32>} : memref<20000xi32, #tpu.memory_space<vmem>>, vector<16xi32>,
      %shift_right_arithmetic3A_532 = arith.constant 7 : i32
      %shift_right_arithmetic3A_533 = vector.broadcast %shift_right_arithmetic3A_532 : i32 to vector<16xi32>
      %shift_right_arithmetic3A_534 = arith.shrsi %get3A_531, %shift_right_arithmetic3A_533 : vector<16xi32>
      %and3A_535 = arith.constant 127 : i32
      %and3A_536 = vector.broadcast %and3A_535 : i32 to vector<16xi32>
      %and3A_537 = arith.andi %get3A_531, %and3A_536 : vector<16xi32>
      tpu.vector_store_idx %arg14[%shift_right_arithmetic3A_534, %and3A_537], %broadcast_in_dim3A_0 {add = true} : memref<80x128xf32, #tpu.memory_space<vmem>>[vector<16xi32>, vector<16xi32>], vector<16xf32>,
      %add3A_538 = arith.constant 3 : i32
      %add3A_539 = arith.addi %add3A_217, %add3A_538 : i32
      %mul3A_540 = arith.constant 128 : i32
      %mul3A_541 = arith.muli %add3A_539, %mul3A_540 : i32
      %add3A_542 = arith.constant 0 : i32
      %add3A_543 = arith.addi %mul3A_541, %add3A_542 : i32
      %get3A_544 = arith.index_cast %add3A_543 : i32 to index
      %get3A_545 = tpu.vector_load %arg9[%get3A_544] {strides = array<i32>} : memref<20000xi32, #tpu.memory_space<vmem>>, vector<16xi32>,
      %shift_right_arithmetic3A_546 = arith.constant 7 : i32
      %shift_right_arithmetic3A_547 = vector.broadcast %shift_right_arithmetic3A_546 : i32 to vector<16xi32>
      %shift_right_arithmetic3A_548 = arith.shrsi %get3A_545, %shift_right_arithmetic3A_547 : vector<16xi32>
      %and3A_549 = arith.constant 127 : i32
      %and3A_550 = vector.broadcast %and3A_549 : i32 to vector<16xi32>
      %and3A_551 = arith.andi %get3A_545, %and3A_550 : vector<16xi32>
      tpu.vector_store_idx %arg14[%shift_right_arithmetic3A_548, %and3A_551], %broadcast_in_dim3A_0 {add = true} : memref<80x128xf32, #tpu.memory_space<vmem>>[vector<16xi32>, vector<16xi32>], vector<16xf32>,
      %add3A_552 = arith.constant 16 : i32
      %add3A_553 = arith.addi %mul3A_541, %add3A_552 : i32
      %get3A_554 = arith.index_cast %add3A_553 : i32 to index
      %get3A_555 = tpu.vector_load %arg9[%get3A_554] {strides = array<i32>} : memref<20000xi32, #tpu.memory_space<vmem>>, vector<16xi32>,
      %shift_right_arithmetic3A_556 = arith.constant 7 : i32
      %shift_right_arithmetic3A_557 = vector.broadcast %shift_right_arithmetic3A_556 : i32 to vector<16xi32>
      %shift_right_arithmetic3A_558 = arith.shrsi %get3A_555, %shift_right_arithmetic3A_557 : vector<16xi32>
      %and3A_559 = arith.constant 127 : i32
      %and3A_560 = vector.broadcast %and3A_559 : i32 to vector<16xi32>
      %and3A_561 = arith.andi %get3A_555, %and3A_560 : vector<16xi32>
      tpu.vector_store_idx %arg14[%shift_right_arithmetic3A_558, %and3A_561], %broadcast_in_dim3A_0 {add = true} : memref<80x128xf32, #tpu.memory_space<vmem>>[vector<16xi32>, vector<16xi32>], vector<16xf32>,
      %add3A_562 = arith.constant 32 : i32
      %add3A_563 = arith.addi %mul3A_541, %add3A_562 : i32
      %get3A_564 = arith.index_cast %add3A_563 : i32 to index
      %get3A_565 = tpu.vector_load %arg9[%get3A_564] {strides = array<i32>} : memref<20000xi32, #tpu.memory_space<vmem>>, vector<16xi32>,
      %shift_right_arithmetic3A_566 = arith.constant 7 : i32
      %shift_right_arithmetic3A_567 = vector.broadcast %shift_right_arithmetic3A_566 : i32 to vector<16xi32>
      %shift_right_arithmetic3A_568 = arith.shrsi %get3A_565, %shift_right_arithmetic3A_567 : vector<16xi32>
      %and3A_569 = arith.constant 127 : i32
      %and3A_570 = vector.broadcast %and3A_569 : i32 to vector<16xi32>
      %and3A_571 = arith.andi %get3A_565, %and3A_570 : vector<16xi32>
      tpu.vector_store_idx %arg14[%shift_right_arithmetic3A_568, %and3A_571], %broadcast_in_dim3A_0 {add = true} : memref<80x128xf32, #tpu.memory_space<vmem>>[vector<16xi32>, vector<16xi32>], vector<16xf32>,
      %add3A_572 = arith.constant 48 : i32
      %add3A_573 = arith.addi %mul3A_541, %add3A_572 : i32
      %get3A_574 = arith.index_cast %add3A_573 : i32 to index
      %get3A_575 = tpu.vector_load %arg9[%get3A_574] {strides = array<i32>} : memref<20000xi32, #tpu.memory_space<vmem>>, vector<16xi32>,
      %shift_right_arithmetic3A_576 = arith.constant 7 : i32
      %shift_right_arithmetic3A_577 = vector.broadcast %shift_right_arithmetic3A_576 : i32 to vector<16xi32>
      %shift_right_arithmetic3A_578 = arith.shrsi %get3A_575, %shift_right_arithmetic3A_577 : vector<16xi32>
      %and3A_579 = arith.constant 127 : i32
      %and3A_580 = vector.broadcast %and3A_579 : i32 to vector<16xi32>
      %and3A_581 = arith.andi %get3A_575, %and3A_580 : vector<16xi32>
      tpu.vector_store_idx %arg14[%shift_right_arithmetic3A_578, %and3A_581], %broadcast_in_dim3A_0 {add = true} : memref<80x128xf32, #tpu.memory_space<vmem>>[vector<16xi32>, vector<16xi32>], vector<16xf32>,
      %add3A_582 = arith.constant 64 : i32
      %add3A_583 = arith.addi %mul3A_541, %add3A_582 : i32
      %get3A_584 = arith.index_cast %add3A_583 : i32 to index
      %get3A_585 = tpu.vector_load %arg9[%get3A_584] {strides = array<i32>} : memref<20000xi32, #tpu.memory_space<vmem>>, vector<16xi32>,
      %shift_right_arithmetic3A_586 = arith.constant 7 : i32
      %shift_right_arithmetic3A_587 = vector.broadcast %shift_right_arithmetic3A_586 : i32 to vector<16xi32>
      %shift_right_arithmetic3A_588 = arith.shrsi %get3A_585, %shift_right_arithmetic3A_587 : vector<16xi32>
      %and3A_589 = arith.constant 127 : i32
      %and3A_590 = vector.broadcast %and3A_589 : i32 to vector<16xi32>
      %and3A_591 = arith.andi %get3A_585, %and3A_590 : vector<16xi32>
      tpu.vector_store_idx %arg14[%shift_right_arithmetic3A_588, %and3A_591], %broadcast_in_dim3A_0 {add = true} : memref<80x128xf32, #tpu.memory_space<vmem>>[vector<16xi32>, vector<16xi32>], vector<16xf32>,
      %add3A_592 = arith.constant 80 : i32
      %add3A_593 = arith.addi %mul3A_541, %add3A_592 : i32
      %get3A_594 = arith.index_cast %add3A_593 : i32 to index
      %get3A_595 = tpu.vector_load %arg9[%get3A_594] {strides = array<i32>} : memref<20000xi32, #tpu.memory_space<vmem>>, vector<16xi32>,
      %shift_right_arithmetic3A_596 = arith.constant 7 : i32
      %shift_right_arithmetic3A_597 = vector.broadcast %shift_right_arithmetic3A_596 : i32 to vector<16xi32>
      %shift_right_arithmetic3A_598 = arith.shrsi %get3A_595, %shift_right_arithmetic3A_597 : vector<16xi32>
      %and3A_599 = arith.constant 127 : i32
      %and3A_600 = vector.broadcast %and3A_599 : i32 to vector<16xi32>
      %and3A_601 = arith.andi %get3A_595, %and3A_600 : vector<16xi32>
      tpu.vector_store_idx %arg14[%shift_right_arithmetic3A_598, %and3A_601], %broadcast_in_dim3A_0 {add = true} : memref<80x128xf32, #tpu.memory_space<vmem>>[vector<16xi32>, vector<16xi32>], vector<16xf32>,
      %add3A_602 = arith.constant 96 : i32
      %add3A_603 = arith.addi %mul3A_541, %add3A_602 : i32
      %get3A_604 = arith.index_cast %add3A_603 : i32 to index
      %get3A_605 = tpu.vector_load %arg9[%get3A_604] {strides = array<i32>} : memref<20000xi32, #tpu.memory_space<vmem>>, vector<16xi32>,
      %shift_right_arithmetic3A_606 = arith.constant 7 : i32
      %shift_right_arithmetic3A_607 = vector.broadcast %shift_right_arithmetic3A_606 : i32 to vector<16xi32>
      %shift_right_arithmetic3A_608 = arith.shrsi %get3A_605, %shift_right_arithmetic3A_607 : vector<16xi32>
      %and3A_609 = arith.constant 127 : i32
      %and3A_610 = vector.broadcast %and3A_609 : i32 to vector<16xi32>
      %and3A_611 = arith.andi %get3A_605, %and3A_610 : vector<16xi32>
      tpu.vector_store_idx %arg14[%shift_right_arithmetic3A_608, %and3A_611], %broadcast_in_dim3A_0 {add = true} : memref<80x128xf32, #tpu.memory_space<vmem>>[vector<16xi32>, vector<16xi32>], vector<16xf32>,
      %add3A_612 = arith.constant 112 : i32
      %add3A_613 = arith.addi %mul3A_541, %add3A_612 : i32
      %get3A_614 = arith.index_cast %add3A_613 : i32 to index
      %get3A_615 = tpu.vector_load %arg9[%get3A_614] {strides = array<i32>} : memref<20000xi32, #tpu.memory_space<vmem>>, vector<16xi32>,
      %shift_right_arithmetic3A_616 = arith.constant 7 : i32
      %shift_right_arithmetic3A_617 = vector.broadcast %shift_right_arithmetic3A_616 : i32 to vector<16xi32>
      %shift_right_arithmetic3A_618 = arith.shrsi %get3A_615, %shift_right_arithmetic3A_617 : vector<16xi32>
      %and3A_619 = arith.constant 127 : i32
      %and3A_620 = vector.broadcast %and3A_619 : i32 to vector<16xi32>
      %and3A_621 = arith.andi %get3A_615, %and3A_620 : vector<16xi32>
      tpu.vector_store_idx %arg14[%shift_right_arithmetic3A_618, %and3A_621], %broadcast_in_dim3A_0 {add = true} : memref<80x128xf32, #tpu.memory_space<vmem>>[vector<16xi32>, vector<16xi32>], vector<16xf32>,
      %dma_wait3A_622 = arith.constant 0 : i32
      %dma_wait3A_623 = tpu.memref_slice %arg9[%dma_wait3A_622] : memref<20000xi32, #tpu.memory_space<vmem>> -> memref<128xi32, #tpu.memory_space<vmem>>
      %dma_wait3A_624 = arith.constant 0 : i32
      %dma_wait3A_625 = arith.constant 0 : i32
      %dma_wait3A_626 = tpu.memref_slice %arg16[%dma_wait3A_624, %dma_wait3A_625] : memref<10240x64xf32, #tpu.memory_space<vmem_shared>> -> memref<10240x64xf32, #tpu.memory_space<vmem_shared>>
      tpu.wait_indirect_dma semaphore(%arg22 : memref<!tpu.dma_semaphore, #tpu.memory_space<semaphore_mem>>) src(%arg10 : memref<128x64xf32, #tpu.memory_space<vmem>>) dst(%dma_wait3A_626 : memref<10240x64xf32, #tpu.memory_space<vmem_shared>>)
      %add3A_627 = arith.constant 4 : i32
      %add3A_628 = arith.addi %add3A_217, %add3A_627 : i32
      %add3A_629 = arith.constant 0 : i32
      %add3A_630 = arith.addi %add3A_628, %add3A_629 : i32
      %lt3A = arith.constant 156 : i32
      %lt3A_631 = arith.cmpi slt, %add3A_630, %lt3A : i32
      %convert_element_type3A_632 = arith.extui %lt3A_631 : i1 to i32
      %cond3A_633 = arith.constant 0 : i32
      %cond3A_634 = arith.cmpi ne, %convert_element_type3A_632, %cond3A_633 : i32
      scf.if %cond3A_634 {
        %add3A_677 = arith.constant 4 : i32
        %add3A_678 = arith.addi %add3A_217, %add3A_677 : i32
        %add3A_679 = arith.constant 0 : i32
        %add3A_680 = arith.addi %add3A_678, %add3A_679 : i32
        %mul3A_681 = arith.constant 128 : i32
        %mul3A_682 = arith.muli %add3A_680, %mul3A_681 : i32
        %dma_start3A_683 = tpu.memref_slice %arg8[%mul3A_682] : memref<20000xi32, #tpu.memory_space<vmem>> -> memref<128xi32, #tpu.memory_space<vmem>>
        %dma_start3A_684 = arith.constant 0 : i32
        %dma_start3A_685 = arith.constant 0 : i32
        %dma_start3A_686 = tpu.memref_slice %arg7[%arg0, %dma_start3A_684, %dma_start3A_685] : memref<2x10000x64xf32, #tpu.memory_space<hbm>> -> memref<1x10000x64xf32, #tpu.memory_space<hbm>>
        %dma_start3A_687 = tpu.memref_squeeze %dma_start3A_686 : memref<1x10000x64xf32, #tpu.memory_space<hbm>> -> memref<10000x64xf32, #tpu.memory_space<hbm>>
        %dma_start3A_688 = arith.constant 0 : i32
        %dma_start3A_689 = arith.constant 0 : i32
        %dma_start3A_690 = tpu.memref_slice %dma_start3A_687[%dma_start3A_688, %dma_start3A_689] : memref<10000x64xf32, #tpu.memory_space<hbm>> -> memref<10000x64xf32, #tpu.memory_space<hbm>>
        tpu.enqueue_indirect_dma source(%dma_start3A_690 : memref<10000x64xf32, #tpu.memory_space<hbm>>) target(%arg10 : memref<128x64xf32, #tpu.memory_space<vmem>>) offsets(%dma_start3A_683 : memref<128xi32, #tpu.memory_space<vmem>>) semaphore(%arg18 : memref<!tpu.dma_semaphore, #tpu.memory_space<semaphore_mem>>)
      } else {
      }
      %dma_wait3A_635 = arith.constant 0 : i32
      %dma_wait3A_636 = tpu.memref_slice %arg9[%dma_wait3A_635] : memref<20000xi32, #tpu.memory_space<vmem>> -> memref<128xi32, #tpu.memory_space<vmem>>
      %dma_wait3A_637 = arith.constant 0 : i32
      %dma_wait3A_638 = arith.constant 0 : i32
      %dma_wait3A_639 = tpu.memref_slice %arg16[%dma_wait3A_637, %dma_wait3A_638] : memref<10240x64xf32, #tpu.memory_space<vmem_shared>> -> memref<10240x64xf32, #tpu.memory_space<vmem_shared>>
      tpu.wait_indirect_dma semaphore(%arg23 : memref<!tpu.dma_semaphore, #tpu.memory_space<semaphore_mem>>) src(%arg11 : memref<128x64xf32, #tpu.memory_space<vmem>>) dst(%dma_wait3A_639 : memref<10240x64xf32, #tpu.memory_space<vmem_shared>>)
      %add3A_640 = arith.constant 4 : i32
      %add3A_641 = arith.addi %add3A_217, %add3A_640 : i32
      %add3A_642 = arith.constant 1 : i32
      %add3A_643 = arith.addi %add3A_641, %add3A_642 : i32
      %lt3A_644 = arith.constant 156 : i32
      %lt3A_645 = arith.cmpi slt, %add3A_643, %lt3A_644 : i32
      %convert_element_type3A_646 = arith.extui %lt3A_645 : i1 to i32
      %cond3A_647 = arith.constant 0 : i32
      %cond3A_648 = arith.cmpi ne, %convert_element_type3A_646, %cond3A_647 : i32
      scf.if %cond3A_648 {
        %add3A_677 = arith.constant 4 : i32
        %add3A_678 = arith.addi %add3A_217, %add3A_677 : i32
        %add3A_679 = arith.constant 1 : i32
        %add3A_680 = arith.addi %add3A_678, %add3A_679 : i32
        %mul3A_681 = arith.constant 128 : i32
        %mul3A_682 = arith.muli %add3A_680, %mul3A_681 : i32
        %dma_start3A_683 = tpu.memref_slice %arg8[%mul3A_682] : memref<20000xi32, #tpu.memory_space<vmem>> -> memref<128xi32, #tpu.memory_space<vmem>>
        %dma_start3A_684 = arith.constant 0 : i32
        %dma_start3A_685 = arith.constant 0 : i32
        %dma_start3A_686 = tpu.memref_slice %arg7[%arg0, %dma_start3A_684, %dma_start3A_685] : memref<2x10000x64xf32, #tpu.memory_space<hbm>> -> memref<1x10000x64xf32, #tpu.memory_space<hbm>>
        %dma_start3A_687 = tpu.memref_squeeze %dma_start3A_686 : memref<1x10000x64xf32, #tpu.memory_space<hbm>> -> memref<10000x64xf32, #tpu.memory_space<hbm>>
        %dma_start3A_688 = arith.constant 0 : i32
        %dma_start3A_689 = arith.constant 0 : i32
        %dma_start3A_690 = tpu.memref_slice %dma_start3A_687[%dma_start3A_688, %dma_start3A_689] : memref<10000x64xf32, #tpu.memory_space<hbm>> -> memref<10000x64xf32, #tpu.memory_space<hbm>>
        tpu.enqueue_indirect_dma source(%dma_start3A_690 : memref<10000x64xf32, #tpu.memory_space<hbm>>) target(%arg11 : memref<128x64xf32, #tpu.memory_space<vmem>>) offsets(%dma_start3A_683 : memref<128xi32, #tpu.memory_space<vmem>>) semaphore(%arg19 : memref<!tpu.dma_semaphore, #tpu.memory_space<semaphore_mem>>)
      } else {
      }
      %dma_wait3A_649 = arith.constant 0 : i32
      %dma_wait3A_650 = tpu.memref_slice %arg9[%dma_wait3A_649] : memref<20000xi32, #tpu.memory_space<vmem>> -> memref<128xi32, #tpu.memory_space<vmem>>
      %dma_wait3A_651 = arith.constant 0 : i32
      %dma_wait3A_652 = arith.constant 0 : i32
      %dma_wait3A_653 = tpu.memref_slice %arg16[%dma_wait3A_651, %dma_wait3A_652] : memref<10240x64xf32, #tpu.memory_space<vmem_shared>> -> memref<10240x64xf32, #tpu.memory_space<vmem_shared>>
      tpu.wait_indirect_dma semaphore(%arg24 : memref<!tpu.dma_semaphore, #tpu.memory_space<semaphore_mem>>) src(%arg12 : memref<128x64xf32, #tpu.memory_space<vmem>>) dst(%dma_wait3A_653 : memref<10240x64xf32, #tpu.memory_space<vmem_shared>>)
      %add3A_654 = arith.constant 4 : i32
      %add3A_655 = arith.addi %add3A_217, %add3A_654 : i32
      %add3A_656 = arith.constant 2 : i32
      %add3A_657 = arith.addi %add3A_655, %add3A_656 : i32
      %lt3A_658 = arith.constant 156 : i32
      %lt3A_659 = arith.cmpi slt, %add3A_657, %lt3A_658 : i32
      %convert_element_type3A_660 = arith.extui %lt3A_659 : i1 to i32
      %cond3A_661 = arith.constant 0 : i32
      %cond3A_662 = arith.cmpi ne, %convert_element_type3A_660, %cond3A_661 : i32
      scf.if %cond3A_662 {
        %add3A_677 = arith.constant 4 : i32
        %add3A_678 = arith.addi %add3A_217, %add3A_677 : i32
        %add3A_679 = arith.constant 2 : i32
        %add3A_680 = arith.addi %add3A_678, %add3A_679 : i32
        %mul3A_681 = arith.constant 128 : i32
        %mul3A_682 = arith.muli %add3A_680, %mul3A_681 : i32
        %dma_start3A_683 = tpu.memref_slice %arg8[%mul3A_682] : memref<20000xi32, #tpu.memory_space<vmem>> -> memref<128xi32, #tpu.memory_space<vmem>>
        %dma_start3A_684 = arith.constant 0 : i32
        %dma_start3A_685 = arith.constant 0 : i32
        %dma_start3A_686 = tpu.memref_slice %arg7[%arg0, %dma_start3A_684, %dma_start3A_685] : memref<2x10000x64xf32, #tpu.memory_space<hbm>> -> memref<1x10000x64xf32, #tpu.memory_space<hbm>>
        %dma_start3A_687 = tpu.memref_squeeze %dma_start3A_686 : memref<1x10000x64xf32, #tpu.memory_space<hbm>> -> memref<10000x64xf32, #tpu.memory_space<hbm>>
        %dma_start3A_688 = arith.constant 0 : i32
        %dma_start3A_689 = arith.constant 0 : i32
        %dma_start3A_690 = tpu.memref_slice %dma_start3A_687[%dma_start3A_688, %dma_start3A_689] : memref<10000x64xf32, #tpu.memory_space<hbm>> -> memref<10000x64xf32, #tpu.memory_space<hbm>>
        tpu.enqueue_indirect_dma source(%dma_start3A_690 : memref<10000x64xf32, #tpu.memory_space<hbm>>) target(%arg12 : memref<128x64xf32, #tpu.memory_space<vmem>>) offsets(%dma_start3A_683 : memref<128xi32, #tpu.memory_space<vmem>>) semaphore(%arg20 : memref<!tpu.dma_semaphore, #tpu.memory_space<semaphore_mem>>)
      } else {
      }
      %dma_wait3A_663 = arith.constant 0 : i32
      %dma_wait3A_664 = tpu.memref_slice %arg9[%dma_wait3A_663] : memref<20000xi32, #tpu.memory_space<vmem>> -> memref<128xi32, #tpu.memory_space<vmem>>
      %dma_wait3A_665 = arith.constant 0 : i32
      %dma_wait3A_666 = arith.constant 0 : i32
      %dma_wait3A_667 = tpu.memref_slice %arg16[%dma_wait3A_665, %dma_wait3A_666] : memref<10240x64xf32, #tpu.memory_space<vmem_shared>> -> memref<10240x64xf32, #tpu.memory_space<vmem_shared>>
      tpu.wait_indirect_dma semaphore(%arg25 : memref<!tpu.dma_semaphore, #tpu.memory_space<semaphore_mem>>) src(%arg13 : memref<128x64xf32, #tpu.memory_space<vmem>>) dst(%dma_wait3A_667 : memref<10240x64xf32, #tpu.memory_space<vmem_shared>>)
      %add3A_668 = arith.constant 4 : i32
      %add3A_669 = arith.addi %add3A_217, %add3A_668 : i32
      %add3A_670 = arith.constant 3 : i32
      %add3A_671 = arith.addi %add3A_669, %add3A_670 : i32
      %lt3A_672 = arith.constant 156 : i32
      %lt3A_673 = arith.cmpi slt, %add3A_671, %lt3A_672 : i32
      %convert_element_type3A_674 = arith.extui %lt3A_673 : i1 to i32
      %cond3A_675 = arith.constant 0 : i32
      %cond3A_676 = arith.cmpi ne, %convert_element_type3A_674, %cond3A_675 : i32
      scf.if %cond3A_676 {
        %add3A_677 = arith.constant 4 : i32
        %add3A_678 = arith.addi %add3A_217, %add3A_677 : i32
        %add3A_679 = arith.constant 3 : i32
        %add3A_680 = arith.addi %add3A_678, %add3A_679 : i32
        %mul3A_681 = arith.constant 128 : i32
        %mul3A_682 = arith.muli %add3A_680, %mul3A_681 : i32
        %dma_start3A_683 = tpu.memref_slice %arg8[%mul3A_682] : memref<20000xi32, #tpu.memory_space<vmem>> -> memref<128xi32, #tpu.memory_space<vmem>>
        %dma_start3A_684 = arith.constant 0 : i32
        %dma_start3A_685 = arith.constant 0 : i32
        %dma_start3A_686 = tpu.memref_slice %arg7[%arg0, %dma_start3A_684, %dma_start3A_685] : memref<2x10000x64xf32, #tpu.memory_space<hbm>> -> memref<1x10000x64xf32, #tpu.memory_space<hbm>>
        %dma_start3A_687 = tpu.memref_squeeze %dma_start3A_686 : memref<1x10000x64xf32, #tpu.memory_space<hbm>> -> memref<10000x64xf32, #tpu.memory_space<hbm>>
        %dma_start3A_688 = arith.constant 0 : i32
        %dma_start3A_689 = arith.constant 0 : i32
        %dma_start3A_690 = tpu.memref_slice %dma_start3A_687[%dma_start3A_688, %dma_start3A_689] : memref<10000x64xf32, #tpu.memory_space<hbm>> -> memref<10000x64xf32, #tpu.memory_space<hbm>>
        tpu.enqueue_indirect_dma source(%dma_start3A_690 : memref<10000x64xf32, #tpu.memory_space<hbm>>) target(%arg13 : memref<128x64xf32, #tpu.memory_space<vmem>>) offsets(%dma_start3A_683 : memref<128xi32, #tpu.memory_space<vmem>>) semaphore(%arg21 : memref<!tpu.dma_semaphore, #tpu.memory_space<semaphore_mem>>)
      } else {
      }
    }
    %scan3A_163 = arith.constant 39 : i32
    %dma_start3A_164 = arith.constant 0 : i32
    %dma_start3A_165 = arith.constant 0 : i32
    %dma_start3A_166 = tpu.memref_slice %arg10[%dma_start3A_164, %dma_start3A_165] : memref<128x64xf32, #tpu.memory_space<vmem>> -> memref<32x64xf32, #tpu.memory_space<vmem>>
    %dma_start3A_167 = arith.constant 19968 : i32
    %dma_start3A_168 = tpu.memref_slice %arg8[%dma_start3A_167] : memref<20000xi32, #tpu.memory_space<vmem>> -> memref<32xi32, #tpu.memory_space<vmem>>
    %dma_start3A_169 = arith.constant 0 : i32
    %dma_start3A_170 = arith.constant 0 : i32
    %dma_start3A_171 = tpu.memref_slice %arg7[%arg0, %dma_start3A_169, %dma_start3A_170] : memref<2x10000x64xf32, #tpu.memory_space<hbm>> -> memref<1x10000x64xf32, #tpu.memory_space<hbm>>
    %dma_start3A_172 = tpu.memref_squeeze %dma_start3A_171 : memref<1x10000x64xf32, #tpu.memory_space<hbm>> -> memref<10000x64xf32, #tpu.memory_space<hbm>>
    %dma_start3A_173 = arith.constant 0 : i32
    %dma_start3A_174 = arith.constant 0 : i32
    %dma_start3A_175 = tpu.memref_slice %dma_start3A_172[%dma_start3A_173, %dma_start3A_174] : memref<10000x64xf32, #tpu.memory_space<hbm>> -> memref<10000x64xf32, #tpu.memory_space<hbm>>
    tpu.enqueue_indirect_dma source(%dma_start3A_175 : memref<10000x64xf32, #tpu.memory_space<hbm>>) target(%dma_start3A_166 : memref<32x64xf32, #tpu.memory_space<vmem>>) offsets(%dma_start3A_168 : memref<32xi32, #tpu.memory_space<vmem>>) semaphore(%arg18 : memref<!tpu.dma_semaphore, #tpu.memory_space<semaphore_mem>>)
    %dma_wait3A_176 = arith.constant 0 : i32
    %dma_wait3A_177 = arith.constant 0 : i32
    %dma_wait3A_178 = tpu.memref_slice %arg10[%dma_wait3A_176, %dma_wait3A_177] : memref<128x64xf32, #tpu.memory_space<vmem>> -> memref<32x64xf32, #tpu.memory_space<vmem>>
    %dma_wait3A_179 = arith.constant 19968 : i32
    %dma_wait3A_180 = tpu.memref_slice %arg8[%dma_wait3A_179] : memref<20000xi32, #tpu.memory_space<vmem>> -> memref<32xi32, #tpu.memory_space<vmem>>
    %dma_wait3A_181 = arith.constant 0 : i32
    %dma_wait3A_182 = arith.constant 0 : i32
    %dma_wait3A_183 = tpu.memref_slice %arg7[%arg0, %dma_wait3A_181, %dma_wait3A_182] : memref<2x10000x64xf32, #tpu.memory_space<hbm>> -> memref<1x10000x64xf32, #tpu.memory_space<hbm>>
    %dma_wait3A_184 = tpu.memref_squeeze %dma_wait3A_183 : memref<1x10000x64xf32, #tpu.memory_space<hbm>> -> memref<10000x64xf32, #tpu.memory_space<hbm>>
    %dma_wait3A_185 = arith.constant 0 : i32
    %dma_wait3A_186 = arith.constant 0 : i32
    %dma_wait3A_187 = tpu.memref_slice %dma_wait3A_184[%dma_wait3A_185, %dma_wait3A_186] : memref<10000x64xf32, #tpu.memory_space<hbm>> -> memref<10000x64xf32, #tpu.memory_space<hbm>>
    tpu.wait_indirect_dma semaphore(%arg18 : memref<!tpu.dma_semaphore, #tpu.memory_space<semaphore_mem>>) src(%dma_wait3A_187 : memref<10000x64xf32, #tpu.memory_space<hbm>>) dst(%dma_wait3A_178 : memref<32x64xf32, #tpu.memory_space<vmem>>)
    "tpu.region"() ({
      %run_scoped3A = tpu.sem_alloc : memref<!tpu.dma_semaphore, #tpu.memory_space<semaphore_mem>>
      %dma_start3A_213 = arith.constant 0 : i32
      %dma_start3A_214 = arith.constant 0 : i32
      %dma_start3A_215 = tpu.memref_slice %arg10[%dma_start3A_213, %dma_start3A_214] : memref<128x64xf32, #tpu.memory_space<vmem>> -> memref<32x64xf32, #tpu.memory_space<vmem>>
      %dma_start3A_216 = arith.constant 19968 : i32
      %dma_start3A_217 = tpu.memref_slice %arg9[%dma_start3A_216] : memref<20000xi32, #tpu.memory_space<vmem>> -> memref<32xi32, #tpu.memory_space<vmem>>
      %dma_start3A_218 = arith.constant 0 : i32
      %dma_start3A_219 = arith.constant 0 : i32
      %dma_start3A_220 = tpu.memref_slice %arg16[%dma_start3A_218, %dma_start3A_219] : memref<10240x64xf32, #tpu.memory_space<vmem_shared>> -> memref<10240x64xf32, #tpu.memory_space<vmem_shared>>
      tpu.enqueue_indirect_dma source(%dma_start3A_215 : memref<32x64xf32, #tpu.memory_space<vmem>>) target(%dma_start3A_220 : memref<10240x64xf32, #tpu.memory_space<vmem_shared>>) offsets(%dma_start3A_217 : memref<32xi32, #tpu.memory_space<vmem>>) semaphore(%run_scoped3A : memref<!tpu.dma_semaphore, #tpu.memory_space<semaphore_mem>>) {add = true}
      %dma_wait3A_221 = arith.constant 0 : i32
      %dma_wait3A_222 = arith.constant 0 : i32
      %dma_wait3A_223 = tpu.memref_slice %arg10[%dma_wait3A_221, %dma_wait3A_222] : memref<128x64xf32, #tpu.memory_space<vmem>> -> memref<32x64xf32, #tpu.memory_space<vmem>>
      %dma_wait3A_224 = arith.constant 19968 : i32
      %dma_wait3A_225 = tpu.memref_slice %arg9[%dma_wait3A_224] : memref<20000xi32, #tpu.memory_space<vmem>> -> memref<32xi32, #tpu.memory_space<vmem>>
      %dma_wait3A_226 = arith.constant 0 : i32
      %dma_wait3A_227 = arith.constant 0 : i32
      %dma_wait3A_228 = tpu.memref_slice %arg16[%dma_wait3A_226, %dma_wait3A_227] : memref<10240x64xf32, #tpu.memory_space<vmem_shared>> -> memref<10240x64xf32, #tpu.memory_space<vmem_shared>>
      tpu.wait_indirect_dma semaphore(%run_scoped3A : memref<!tpu.dma_semaphore, #tpu.memory_space<semaphore_mem>>) src(%dma_wait3A_223 : memref<32x64xf32, #tpu.memory_space<vmem>>) dst(%dma_wait3A_228 : memref<10240x64xf32, #tpu.memory_space<vmem_shared>>)
      tpu.yield
    }) : () -> ()
    %get3A = arith.constant 19968 : index
    %get3A_188 = tpu.vector_load %arg9[%get3A] {strides = array<i32>} : memref<20000xi32, #tpu.memory_space<vmem>>, vector<16xi32>,
    %shift_right_arithmetic3A = arith.constant 7 : i32
    %shift_right_arithmetic3A_189 = vector.broadcast %shift_right_arithmetic3A : i32 to vector<16xi32>
    %shift_right_arithmetic3A_190 = arith.shrsi %get3A_188, %shift_right_arithmetic3A_189 : vector<16xi32>
    %and3A = arith.constant 127 : i32
    %and3A_191 = vector.broadcast %and3A : i32 to vector<16xi32>
    %and3A_192 = arith.andi %get3A_188, %and3A_191 : vector<16xi32>
    tpu.vector_store_idx %arg14[%shift_right_arithmetic3A_190, %and3A_192], %broadcast_in_dim3A_0 {add = true} : memref<80x128xf32, #tpu.memory_space<vmem>>[vector<16xi32>, vector<16xi32>], vector<16xf32>,
    %get3A_193 = arith.constant 19984 : index
    %get3A_194 = tpu.vector_load %arg9[%get3A_193] {strides = array<i32>} : memref<20000xi32, #tpu.memory_space<vmem>>, vector<16xi32>,
    %shift_right_arithmetic3A_195 = arith.constant 7 : i32
    %shift_right_arithmetic3A_196 = vector.broadcast %shift_right_arithmetic3A_195 : i32 to vector<16xi32>
    %shift_right_arithmetic3A_197 = arith.shrsi %get3A_194, %shift_right_arithmetic3A_196 : vector<16xi32>
    %and3A_198 = arith.constant 127 : i32
    %and3A_199 = vector.broadcast %and3A_198 : i32 to vector<16xi32>
    %and3A_200 = arith.andi %get3A_194, %and3A_199 : vector<16xi32>
    tpu.vector_store_idx %arg14[%shift_right_arithmetic3A_197, %and3A_200], %broadcast_in_dim3A_0 {add = true} : memref<80x128xf32, #tpu.memory_space<vmem>>[vector<16xi32>, vector<16xi32>], vector<16xf32>,
    %barrier3A_201 = arith.constant 0 : index
    tpu.barrier barrier_id(%barrier3A_201)
    "tpu.region"() ({
      %run_scoped3A = tpu.sem_alloc : memref<!tpu.dma_semaphore, #tpu.memory_space<semaphore_mem>>
      %dma_start3A_213 = arith.constant 0 : i32
      %dma_start3A_214 = arith.constant 0 : i32
      %dma_start3A_215 = tpu.memref_slice %arg17[%dma_start3A_213, %dma_start3A_214] : memref<80x128xf32, #tpu.memory_space<vmem_shared>> -> memref<80x128xf32, #tpu.memory_space<vmem_shared>>
      tpu.enqueue_indirect_dma source(%arg14 : memref<80x128xf32, #tpu.memory_space<vmem>>) target(%dma_start3A_215 : memref<80x128xf32, #tpu.memory_space<vmem_shared>>) offsets(%arg15 : memref<80xi32, #tpu.memory_space<vmem>>) semaphore(%run_scoped3A : memref<!tpu.dma_semaphore, #tpu.memory_space<semaphore_mem>>) {add = true}
      %dma_wait3A_216 = arith.constant 0 : i32
      %dma_wait3A_217 = arith.constant 0 : i32
      %dma_wait3A_218 = tpu.memref_slice %arg17[%dma_wait3A_216, %dma_wait3A_217] : memref<80x128xf32, #tpu.memory_space<vmem_shared>> -> memref<80x128xf32, #tpu.memory_space<vmem_shared>>
      tpu.wait_indirect_dma semaphore(%run_scoped3A : memref<!tpu.dma_semaphore, #tpu.memory_space<semaphore_mem>>) src(%arg14 : memref<80x128xf32, #tpu.memory_space<vmem>>) dst(%dma_wait3A_218 : memref<80x128xf32, #tpu.memory_space<vmem_shared>>)
      tpu.yield
    }) : () -> ()
    %barrier3A_202 = arith.constant 0 : index
    tpu.barrier barrier_id(%barrier3A_202)
    %mul3A_203 = arith.constant 640 : i32
    %mul3A_204 = arith.muli %arg1, %mul3A_203 : i32
    %mul3A_205 = arith.constant 640 : i32
    %mul3A_206 = arith.muli %arg1, %mul3A_205 : i32
    %mul3A_207 = arith.constant 64 : i32
    %mul3A_208 = arith.muli %arg0, %mul3A_207 : i32
    "tpu.region"() ({
      %run_scoped3A = tpu.sem_alloc : memref<!tpu.dma_semaphore, #tpu.memory_space<semaphore_mem>>
      %dma_start3A_213 = tpu.memref_slice %arg5[%mul3A_206, %mul3A_208] : memref<10240x128xf32, #tpu.memory_space<hbm>> -> memref<640x64xf32, #tpu.memory_space<hbm>>
      %dma_start3A_214 = arith.constant 0 : i32
      %dma_start3A_215 = tpu.memref_slice %arg16[%mul3A_204, %dma_start3A_214] : memref<10240x64xf32, #tpu.memory_space<vmem_shared>> -> memref<640x64xf32, #tpu.memory_space<vmem_shared>>
      tpu.enqueue_dma source(%dma_start3A_215 : memref<640x64xf32, #tpu.memory_space<vmem_shared>>) target(%dma_start3A_213 : memref<640x64xf32, #tpu.memory_space<hbm>>) target_semaphore(%run_scoped3A : memref<!tpu.dma_semaphore, #tpu.memory_space<semaphore_mem>>)
      %dma_wait3A_216 = tpu.memref_slice %arg5[%mul3A_206, %mul3A_208] : memref<10240x128xf32, #tpu.memory_space<hbm>> -> memref<640x64xf32, #tpu.memory_space<hbm>>
      %dma_wait3A_217 = arith.constant 0 : i32
      %dma_wait3A_218 = tpu.memref_slice %arg16[%mul3A_204, %dma_wait3A_217] : memref<10240x64xf32, #tpu.memory_space<vmem_shared>> -> memref<640x64xf32, #tpu.memory_space<vmem_shared>>
      tpu.wait_dma2 semaphore(%run_scoped3A : memref<!tpu.dma_semaphore, #tpu.memory_space<semaphore_mem>>) src(%dma_wait3A_218 : memref<640x64xf32, #tpu.memory_space<vmem_shared>>) dst(%dma_wait3A_216 : memref<640x64xf32, #tpu.memory_space<hbm>>)
      tpu.yield
    }) : () -> ()
    %mul3A_209 = arith.constant 5 : i32
    %mul3A_210 = arith.muli %arg1, %mul3A_209 : i32
    %mul3A_211 = arith.constant 5 : i32
    %mul3A_212 = arith.muli %arg1, %mul3A_211 : i32
    "tpu.region"() ({
      %run_scoped3A = tpu.sem_alloc : memref<!tpu.dma_semaphore, #tpu.memory_space<semaphore_mem>>
      %dma_start3A_213 = arith.constant 0 : i32
      %dma_start3A_214 = tpu.memref_slice %arg6[%arg0, %mul3A_212, %dma_start3A_213] : memref<2x80x128xf32, #tpu.memory_space<hbm>> -> memref<1x5x128xf32, #tpu.memory_space<hbm>>
      %dma_start3A_215 = tpu.memref_squeeze %dma_start3A_214 : memref<1x5x128xf32, #tpu.memory_space<hbm>> -> memref<5x128xf32, #tpu.memory_space<hbm>>
      %dma_start3A_216 = arith.constant 0 : i32
      %dma_start3A_217 = tpu.memref_slice %arg17[%mul3A_210, %dma_start3A_216] : memref<80x128xf32, #tpu.memory_space<vmem_shared>> -> memref<5x128xf32, #tpu.memory_space<vmem_shared>>
      tpu.enqueue_dma source(%dma_start3A_217 : memref<5x128xf32, #tpu.memory_space<vmem_shared>>) target(%dma_start3A_215 : memref<5x128xf32, #tpu.memory_space<hbm>>) target_semaphore(%run_scoped3A : memref<!tpu.dma_semaphore, #tpu.memory_space<semaphore_mem>>)
      %dma_wait3A_218 = arith.constant 0 : i32
      %dma_wait3A_219 = tpu.memref_slice %arg6[%arg0, %mul3A_212, %dma_wait3A_218] : memref<2x80x128xf32, #tpu.memory_space<hbm>> -> memref<1x5x128xf32, #tpu.memory_space<hbm>>
      %dma_wait3A_220 = tpu.memref_squeeze %dma_wait3A_219 : memref<1x5x128xf32, #tpu.memory_space<hbm>> -> memref<5x128xf32, #tpu.memory_space<hbm>>
      %dma_wait3A_221 = arith.constant 0 : i32
      %dma_wait3A_222 = tpu.memref_slice %arg17[%mul3A_210, %dma_wait3A_221] : memref<80x128xf32, #tpu.memory_space<vmem_shared>> -> memref<5x128xf32, #tpu.memory_space<vmem_shared>>
      tpu.wait_dma2 semaphore(%run_scoped3A : memref<!tpu.dma_semaphore, #tpu.memory_space<semaphore_mem>>) src(%dma_wait3A_222 : memref<5x128xf32, #tpu.memory_space<vmem_shared>>) dst(%dma_wait3A_220 : memref<5x128xf32, #tpu.memory_space<hbm>>)
      tpu.yield
    }) : () -> ()
    return
  }
}

module attributes {stable_mosaic.version = 14 : i64} {
  func.func @body(%arg0: i32, %arg1: memref<1024x128xf32, #tpu.memory_space<vmem>>, %arg2: memref<128x128xf32, #tpu.memory_space<vmem>>, %arg3: memref<1x128xf32, #tpu.memory_space<vmem>>, %arg4: memref<1024x128xf32, #tpu.memory_space<vmem>>) attributes {dimension_semantics = [#tpu.dimension_semantics<arbitrary>], iteration_bounds = array<i64: 10>, scalar_prefetch = 0 : i64, scratch_operands = 0 : i64, tpu.core_type = #tpu.core_type<tc>, window_params = [{transform_indices = @transform_0, window_bounds = array<i64: 1024, 128>}, {pipeline_mode = #tpu.pipeline_mode<synchronous>, transform_indices = @transform_1, window_bounds = array<i64: 128, 128>}, {pipeline_mode = #tpu.pipeline_mode<synchronous>, transform_indices = @transform_2, window_bounds = array<i64: 1, 128>}, {transform_indices = @transform_3, window_bounds = array<i64: 1024, 128>}]} {
    %get3A = arith.constant 0 : index
    %get3A_0 = arith.constant 0 : index
    %get3A_1 = vector.load %arg1[%get3A, %get3A_0] : memref<1024x128xf32, #tpu.memory_space<vmem>>, vector<1024x128xf32>
    %get3A_2 = arith.constant 0 : index
    %get3A_3 = arith.constant 0 : index
    %get3A_4 = vector.load %arg2[%get3A_2, %get3A_3] : memref<128x128xf32, #tpu.memory_space<vmem>>, vector<128x128xf32>
    %dot_general3A = arith.constant dense<0.000000e+00> : vector<1024x128xf32>
    %dot_general3A_5 = tpu.matmul %get3A_1, %get3A_4, %dot_general3A {dimension_numbers = #tpu.dot_dimension_numbers<[1], [0], [0], [1], [0, 0, 1, 1], [], []>, transpose_lhs_hint = false} : vector<1024x128xf32>, vector<128x128xf32>, vector<1024x128xf32> -> vector<1024x128xf32>
    %get3A_6 = arith.constant 0 : index
    %get3A_7 = arith.constant 0 : index
    %get3A_8 = vector.load %arg3[%get3A_6, %get3A_7] : memref<1x128xf32, #tpu.memory_space<vmem>>, vector<1x128xf32>
    %add3A = vector.broadcast %get3A_8 : vector<1x128xf32> to vector<1024x128xf32>
    %add3A_9 = arith.addf %dot_general3A_5, %add3A : vector<1024x128xf32>
    %swap3A = arith.constant 0 : index
    %swap3A_10 = arith.constant 0 : index
    %swap3A_11 = vector.load %arg4[%swap3A, %swap3A_10] : memref<1024x128xf32, #tpu.memory_space<vmem>>, vector<1024x128xf32>
    tpu.vector_store %arg4[%swap3A, %swap3A_10], %add3A_9 {strides = array<i32>} : memref<1024x128xf32, #tpu.memory_space<vmem>>, vector<1024x128xf32>,
    return
  }
  func.func @transform_0(%arg0: i32) -> (i32, i32) {
    %c0_i32 = arith.constant 0 : i32
    %c0_i32_0 = arith.constant 0 : i32
    return %arg0, %c0_i32 : i32, i32
  }
  func.func @transform_1(%arg0: i32) -> (i32, i32) {
    %c0_i32 = arith.constant 0 : i32
    %c0_i32_0 = arith.constant 0 : i32
    %c0_i32_1 = arith.constant 0 : i32
    return %c0_i32, %c0_i32_0 : i32, i32
  }
  func.func @transform_2(%arg0: i32) -> (i32, i32) {
    %c0_i32 = arith.constant 0 : i32
    %c0_i32_0 = arith.constant 0 : i32
    %c0_i32_1 = arith.constant 0 : i32
    return %c0_i32, %c0_i32_0 : i32, i32
  }
  func.func @transform_3(%arg0: i32) -> (i32, i32) {
    %c0_i32 = arith.constant 0 : i32
    %c0_i32_0 = arith.constant 0 : i32
    return %arg0, %c0_i32 : i32, i32
  }
}

module attributes {stable_mosaic.version = 14 : i64} {
  func.func @body(%arg0: i32, %arg1: memref<2048x128xf32, #tpu.memory_space<vmem>>, %arg2: memref<1x16x128xf32, #tpu.memory_space<vmem>>, %arg3: memref<2048x128xf32, #tpu.memory_space<vmem>>, %arg4: memref<128x128xbf16, #tpu.memory_space<vmem>>, %arg5: memref<2048x128xf32, #tpu.memory_space<vmem>>) attributes {dimension_semantics = [#tpu.dimension_semantics<arbitrary>], iteration_bounds = array<i64: 5>, scalar_prefetch = 0 : i64, scratch_operands = 0 : i64, tpu.core_type = #tpu.core_type<tc>, window_params = [{transform_indices = @transform_0, window_bounds = array<i64: 2048, 128>}, {transform_indices = @transform_1, window_bounds = array<i64: 1, 16, 128>}, {transform_indices = @transform_2, window_bounds = array<i64: 2048, 128>}, {pipeline_mode = #tpu.pipeline_mode<synchronous>, transform_indices = @transform_3, window_bounds = array<i64: 128, 128>}, {transform_indices = @transform_4, window_bounds = array<i64: 2048, 128>}]} {
    %get3A = arith.constant 0 : index
    %get3A_0 = arith.constant 0 : index
    %get3A_1 = arith.constant 0 : index
    %get3A_2 = vector.load %arg2[%get3A, %get3A_0, %get3A_1] : memref<1x16x128xf32, #tpu.memory_space<vmem>>, vector<1x1x128xf32>
    %get3A_3 = vector.shape_cast %get3A_2 : vector<1x1x128xf32> to vector<1x128xf32>
    %transpose3A = tpu.transpose %get3A_3, [1, 0] : vector<1x128xf32> -> vector<128x1xf32>
    %get3A_4 = arith.constant 0 : index
    %get3A_5 = arith.constant 1 : index
    %get3A_6 = arith.constant 0 : index
    %get3A_7 = vector.load %arg2[%get3A_4, %get3A_5, %get3A_6] : memref<1x16x128xf32, #tpu.memory_space<vmem>>, vector<1x1x128xf32>
    %get3A_8 = vector.shape_cast %get3A_7 : vector<1x1x128xf32> to vector<1x128xf32>
    %transpose3A_9 = tpu.transpose %get3A_8, [1, 0] : vector<1x128xf32> -> vector<128x1xf32>
    %get3A_10 = arith.constant 0 : index
    %get3A_11 = arith.constant 2 : index
    %get3A_12 = arith.constant 0 : index
    %get3A_13 = vector.load %arg2[%get3A_10, %get3A_11, %get3A_12] : memref<1x16x128xf32, #tpu.memory_space<vmem>>, vector<1x1x128xf32>
    %get3A_14 = vector.shape_cast %get3A_13 : vector<1x1x128xf32> to vector<1x128xf32>
    %transpose3A_15 = tpu.transpose %get3A_14, [1, 0] : vector<1x128xf32> -> vector<128x1xf32>
    %get3A_16 = arith.constant 0 : index
    %get3A_17 = arith.constant 3 : index
    %get3A_18 = arith.constant 0 : index
    %get3A_19 = vector.load %arg2[%get3A_16, %get3A_17, %get3A_18] : memref<1x16x128xf32, #tpu.memory_space<vmem>>, vector<1x1x128xf32>
    %get3A_20 = vector.shape_cast %get3A_19 : vector<1x1x128xf32> to vector<1x128xf32>
    %transpose3A_21 = tpu.transpose %get3A_20, [1, 0] : vector<1x128xf32> -> vector<128x1xf32>
    %get3A_22 = arith.constant 0 : index
    %get3A_23 = arith.constant 4 : index
    %get3A_24 = arith.constant 0 : index
    %get3A_25 = vector.load %arg2[%get3A_22, %get3A_23, %get3A_24] : memref<1x16x128xf32, #tpu.memory_space<vmem>>, vector<1x1x128xf32>
    %get3A_26 = vector.shape_cast %get3A_25 : vector<1x1x128xf32> to vector<1x128xf32>
    %transpose3A_27 = tpu.transpose %get3A_26, [1, 0] : vector<1x128xf32> -> vector<128x1xf32>
    %get3A_28 = arith.constant 0 : index
    %get3A_29 = arith.constant 5 : index
    %get3A_30 = arith.constant 0 : index
    %get3A_31 = vector.load %arg2[%get3A_28, %get3A_29, %get3A_30] : memref<1x16x128xf32, #tpu.memory_space<vmem>>, vector<1x1x128xf32>
    %get3A_32 = vector.shape_cast %get3A_31 : vector<1x1x128xf32> to vector<1x128xf32>
    %transpose3A_33 = tpu.transpose %get3A_32, [1, 0] : vector<1x128xf32> -> vector<128x1xf32>
    %get3A_34 = arith.constant 0 : index
    %get3A_35 = arith.constant 6 : index
    %get3A_36 = arith.constant 0 : index
    %get3A_37 = vector.load %arg2[%get3A_34, %get3A_35, %get3A_36] : memref<1x16x128xf32, #tpu.memory_space<vmem>>, vector<1x1x128xf32>
    %get3A_38 = vector.shape_cast %get3A_37 : vector<1x1x128xf32> to vector<1x128xf32>
    %transpose3A_39 = tpu.transpose %get3A_38, [1, 0] : vector<1x128xf32> -> vector<128x1xf32>
    %get3A_40 = arith.constant 0 : index
    %get3A_41 = arith.constant 7 : index
    %get3A_42 = arith.constant 0 : index
    %get3A_43 = vector.load %arg2[%get3A_40, %get3A_41, %get3A_42] : memref<1x16x128xf32, #tpu.memory_space<vmem>>, vector<1x1x128xf32>
    %get3A_44 = vector.shape_cast %get3A_43 : vector<1x1x128xf32> to vector<1x128xf32>
    %transpose3A_45 = tpu.transpose %get3A_44, [1, 0] : vector<1x128xf32> -> vector<128x1xf32>
    %get3A_46 = arith.constant 0 : index
    %get3A_47 = arith.constant 8 : index
    %get3A_48 = arith.constant 0 : index
    %get3A_49 = vector.load %arg2[%get3A_46, %get3A_47, %get3A_48] : memref<1x16x128xf32, #tpu.memory_space<vmem>>, vector<1x1x128xf32>
    %get3A_50 = vector.shape_cast %get3A_49 : vector<1x1x128xf32> to vector<1x128xf32>
    %transpose3A_51 = tpu.transpose %get3A_50, [1, 0] : vector<1x128xf32> -> vector<128x1xf32>
    %get3A_52 = arith.constant 0 : index
    %get3A_53 = arith.constant 9 : index
    %get3A_54 = arith.constant 0 : index
    %get3A_55 = vector.load %arg2[%get3A_52, %get3A_53, %get3A_54] : memref<1x16x128xf32, #tpu.memory_space<vmem>>, vector<1x1x128xf32>
    %get3A_56 = vector.shape_cast %get3A_55 : vector<1x1x128xf32> to vector<1x128xf32>
    %transpose3A_57 = tpu.transpose %get3A_56, [1, 0] : vector<1x128xf32> -> vector<128x1xf32>
    %get3A_58 = arith.constant 0 : index
    %get3A_59 = arith.constant 10 : index
    %get3A_60 = arith.constant 0 : index
    %get3A_61 = vector.load %arg2[%get3A_58, %get3A_59, %get3A_60] : memref<1x16x128xf32, #tpu.memory_space<vmem>>, vector<1x1x128xf32>
    %get3A_62 = vector.shape_cast %get3A_61 : vector<1x1x128xf32> to vector<1x128xf32>
    %transpose3A_63 = tpu.transpose %get3A_62, [1, 0] : vector<1x128xf32> -> vector<128x1xf32>
    %get3A_64 = arith.constant 0 : index
    %get3A_65 = arith.constant 11 : index
    %get3A_66 = arith.constant 0 : index
    %get3A_67 = vector.load %arg2[%get3A_64, %get3A_65, %get3A_66] : memref<1x16x128xf32, #tpu.memory_space<vmem>>, vector<1x1x128xf32>
    %get3A_68 = vector.shape_cast %get3A_67 : vector<1x1x128xf32> to vector<1x128xf32>
    %transpose3A_69 = tpu.transpose %get3A_68, [1, 0] : vector<1x128xf32> -> vector<128x1xf32>
    %get3A_70 = arith.constant 0 : index
    %get3A_71 = arith.constant 12 : index
    %get3A_72 = arith.constant 0 : index
    %get3A_73 = vector.load %arg2[%get3A_70, %get3A_71, %get3A_72] : memref<1x16x128xf32, #tpu.memory_space<vmem>>, vector<1x1x128xf32>
    %get3A_74 = vector.shape_cast %get3A_73 : vector<1x1x128xf32> to vector<1x128xf32>
    %transpose3A_75 = tpu.transpose %get3A_74, [1, 0] : vector<1x128xf32> -> vector<128x1xf32>
    %get3A_76 = arith.constant 0 : index
    %get3A_77 = arith.constant 13 : index
    %get3A_78 = arith.constant 0 : index
    %get3A_79 = vector.load %arg2[%get3A_76, %get3A_77, %get3A_78] : memref<1x16x128xf32, #tpu.memory_space<vmem>>, vector<1x1x128xf32>
    %get3A_80 = vector.shape_cast %get3A_79 : vector<1x1x128xf32> to vector<1x128xf32>
    %transpose3A_81 = tpu.transpose %get3A_80, [1, 0] : vector<1x128xf32> -> vector<128x1xf32>
    %get3A_82 = arith.constant 0 : index
    %get3A_83 = arith.constant 14 : index
    %get3A_84 = arith.constant 0 : index
    %get3A_85 = vector.load %arg2[%get3A_82, %get3A_83, %get3A_84] : memref<1x16x128xf32, #tpu.memory_space<vmem>>, vector<1x1x128xf32>
    %get3A_86 = vector.shape_cast %get3A_85 : vector<1x1x128xf32> to vector<1x128xf32>
    %transpose3A_87 = tpu.transpose %get3A_86, [1, 0] : vector<1x128xf32> -> vector<128x1xf32>
    %get3A_88 = arith.constant 0 : index
    %get3A_89 = arith.constant 15 : index
    %get3A_90 = arith.constant 0 : index
    %get3A_91 = vector.load %arg2[%get3A_88, %get3A_89, %get3A_90] : memref<1x16x128xf32, #tpu.memory_space<vmem>>, vector<1x1x128xf32>
    %get3A_92 = vector.shape_cast %get3A_91 : vector<1x1x128xf32> to vector<1x128xf32>
    %transpose3A_93 = tpu.transpose %get3A_92, [1, 0] : vector<1x128xf32> -> vector<128x1xf32>
    %concatenate3A = tpu.concatenate %transpose3A, %transpose3A_9, %transpose3A_15, %transpose3A_21, %transpose3A_27, %transpose3A_33, %transpose3A_39, %transpose3A_45, %transpose3A_51, %transpose3A_57, %transpose3A_63, %transpose3A_69, %transpose3A_75, %transpose3A_81, %transpose3A_87, %transpose3A_93 in 0 : vector<128x1xf32>, vector<128x1xf32>, vector<128x1xf32>, vector<128x1xf32>, vector<128x1xf32>, vector<128x1xf32>, vector<128x1xf32>, vector<128x1xf32>, vector<128x1xf32>, vector<128x1xf32>, vector<128x1xf32>, vector<128x1xf32>, vector<128x1xf32>, vector<128x1xf32>, vector<128x1xf32>, vector<128x1xf32> -> vector<2048x1xf32>
    %max3A = arith.constant 1.000000e+00 : f32
    %max3A_94 = vector.broadcast %max3A : f32 to vector<2048x1xf32>
    %max3A_95 = arith.maximumf %concatenate3A, %max3A_94 : vector<2048x1xf32>
    %get3A_96 = arith.constant 0 : index
    %get3A_97 = arith.constant 0 : index
    %get3A_98 = vector.load %arg1[%get3A_96, %get3A_97] : memref<2048x128xf32, #tpu.memory_space<vmem>>, vector<2048x128xf32>
    %div3A = vector.broadcast %max3A_95 : vector<2048x1xf32> to vector<2048x128xf32>
    %div3A_99 = arith.divf %get3A_98, %div3A : vector<2048x128xf32>
    %convert_element_type3A = arith.truncf %div3A_99 : vector<2048x128xf32> to vector<2048x128xbf16>
    %get3A_100 = arith.constant 0 : index
    %get3A_101 = arith.constant 0 : index
    %get3A_102 = vector.load %arg4[%get3A_100, %get3A_101] : memref<128x128xbf16, #tpu.memory_space<vmem>>, vector<128x128xbf16>
    %dot_general3A = arith.constant dense<0.000000e+00> : vector<2048x128xf32>
    %dot_general3A_103 = tpu.matmul %convert_element_type3A, %get3A_102, %dot_general3A {dimension_numbers = #tpu.dot_dimension_numbers<[1], [0], [0], [1], [0, 0, 1, 1], [], []>, transpose_lhs_hint = false} : vector<2048x128xbf16>, vector<128x128xbf16>, vector<2048x128xf32> -> vector<2048x128xf32>
    %get3A_104 = arith.constant 0 : index
    %get3A_105 = arith.constant 0 : index
    %get3A_106 = vector.load %arg3[%get3A_104, %get3A_105] : memref<2048x128xf32, #tpu.memory_space<vmem>>, vector<2048x128xf32>
    %add3A = arith.addf %dot_general3A_103, %get3A_106 : vector<2048x128xf32>
    %swap3A = arith.constant 0 : index
    %swap3A_107 = arith.constant 0 : index
    %swap3A_108 = vector.load %arg5[%swap3A, %swap3A_107] : memref<2048x128xf32, #tpu.memory_space<vmem>>, vector<2048x128xf32>
    tpu.vector_store %arg5[%swap3A, %swap3A_107], %add3A {strides = array<i32>} : memref<2048x128xf32, #tpu.memory_space<vmem>>, vector<2048x128xf32>,
    return
  }
  func.func @transform_0(%arg0: i32) -> (i32, i32) {
    %c0_i32 = arith.constant 0 : i32
    %c0_i32_0 = arith.constant 0 : i32
    return %arg0, %c0_i32 : i32, i32
  }
  func.func @transform_1(%arg0: i32) -> (i32, i32, i32) {
    %c0_i32 = arith.constant 0 : i32
    %c0_i32_0 = arith.constant 0 : i32
    %c0_i32_1 = arith.constant 0 : i32
    return %c0_i32, %arg0, %c0_i32_0 : i32, i32, i32
  }
  func.func @transform_2(%arg0: i32) -> (i32, i32) {
    %c0_i32 = arith.constant 0 : i32
    %c0_i32_0 = arith.constant 0 : i32
    return %arg0, %c0_i32 : i32, i32
  }
  func.func @transform_3(%arg0: i32) -> (i32, i32) {
    %c0_i32 = arith.constant 0 : i32
    %c0_i32_0 = arith.constant 0 : i32
    %c0_i32_1 = arith.constant 0 : i32
    return %c0_i32, %c0_i32_0 : i32, i32
  }
  func.func @transform_4(%arg0: i32) -> (i32, i32) {
    %c0_i32 = arith.constant 0 : i32
    %c0_i32_0 = arith.constant 0 : i32
    return %arg0, %c0_i32 : i32, i32
  }
}

</mosaic_0001>

<sc_bundles>
// kernel: kernel.5.cloned.1.call-start
scs
__scs_entry_jumppad:
0x0: {  	(pc) =	sbr.rel $0x88, $3  }
0x1: {  	(tag) =	ssettag $0x0;
	lr =	simm.s32 $0x1  }
0x2: {  	[smem:$0x3F9B] =	sst lr;
	_ =	strace $0xD0000000  }
0x3: {  	_ = 	snop  }
0x4: {  	_ = 	snop  }
0x5: {  	_ = 	snop  }
0x6: {  	_ = 	snop  }
0x7: {  	_ = 	snop  }
__scs_overlays_trampoline_lowered:
0x8: {  	[smem:$0x3FAA] =	sst s0  }
0x9: {  	[smem:$0x3FAB] =	sst s1  }
0xa: {  	[smem:$0x3FAC] =	sst s2  }
0xb: {  	[smem:$0x3FAD] =	sst s3  }
0xc: {  	[smem:$0x3FAE] =	sst s4  }
0xd: {  	[smem:$0x3FAF] =	sst s5  }
0xe: {  	[smem:$0x3FB0] =	sst s6  }
0xf: {  	[smem:$0x3FB1] =	sst s7  }
0x10: {  	[smem:$0x3FB2] =	sst s8  }
0x11: {  	[smem:$0x3FB3] =	sst s9;
	s0 =	simm.s32 @!p0 $0x0  }
0x12: {  	s1 =	sld [smem:$0x3F99];
	s0 =	simm.s32 @p0 $0x1  }
0x13: {  	[smem:$0x3FB4] =	sst s0;
	s0 =	simm.s32 @!p1 $0x0  }
0x14: {  	s2 =	sld [smem:$0x3F98];
	s0 =	simm.s32 @p1 $0x1  }
0x15: {  	[smem:$0x3FB5] =	sst s0;
	s0 =	simm.s32 @!p2 $0x0  }
0x16: {  	s3 =	sld [smem:$0x3FDB];
	s0 =	simm.s32 @p2 $0x1  }
0x17: {  	s4 =	simm.s32 $0x1BF5;
	[smem:$0x3FB7] =	sst s0  }
0x18: {  	s0 =	sld [smem:$0x3F9A];
	_ =	swait.ge [sflag:s4], $0x0  }
0x19: {  	s7 =	sld [smem:$0x3F9B]  }
0x1a: {  	s8 =	sadd.s32 $0xFFFFE003, lr  }
0x1b: {  	s9 =	sadd.s32 $0xFFFFFEF7, lr;
	s5 =	simm.s32 $0xFFFFFFFF;
	p2 =	slt.u32 s8, $0xFFFFF086  }
0x1c: {  	p1 =	slt.u32 s9, $0xF7A;
	s5 =	simm.s32 @!p2 $0x0  }
0x1d: {  	s5 =	simm.s32 @p1 $0x1;
	p0 =	seq.s32 s7, s2  }
0x1e: {  	s7 =	smul.u32 @!p0 $0xF7A, s2;
	p2 =	seq.s32 @!p0 s5, $0x0  }
0x1f: {  	s9 =	smul.u32 $0xF7A, s1;
	s8 =	simm.s32 @!p0 $0x1BF5;
	p2 =	por !p2, p0  }
0x20: {  	[sflag:s8] =	ssyncset.s32 @!p0 $0xFFFFF086;
	s6 =	sadd.s32 @!p0 s3, s7;
	s7 =	simm.s32 @!p0 $0x108  }
0x21: {  	s3 =	sadd.s32 s3, s9;
	s6 =	sadd.s32 @!p0 $0x88, s6;
	s7 =	simm.s32 @p2 $0x1082  }
0x22: {  	[simem:s7], [sflag:s8] =	dma.local @!p0 [hbm:s6], $0xF7A  }
0x23: {  	s9 =	sor.u32 $0xD0000000, s2;
	s6 =	simm.s32 $0x108;
	_ =	swait.ge @!p0 [sflag:s8], $0x0  }
0x24: {  	s3 =	sadd.s32 $0x88, s3;
	s6 =	simm.s32 @!p1 $0x1082;
	[sflag:s4] =	ssyncset.s32 $0xFFFFF086  }
0x25: {  	[simem:s6], [sflag:s4] =	dma.local [hbm:s3], $0xF7A  }
0x26: {  	[smem:$0x3F9B] =	sst s1;
	(tag) =	ssettag s2;
	_ =	strace s9  }
0x27: {  	s1 =	sld [smem:$0x3FAB]  }
0x28: {  	s2 =	sld [smem:$0x3FAC]  }
0x29: {  	s4 =	sld [smem:$0x3FAE]  }
0x2a: {  	p0 =	seq.s32 s5, $0x0;
	s5 =	sld [smem:$0x3FAF]  }
0x2b: {  	s6 =	sld [smem:$0x3FB0]  }
0x2c: {  	s7 =	sld [smem:$0x3FB1]  }
0x2d: {  	s3 =	simm.s32 $0x108;
	s8 =	sld [smem:$0x3FB2]  }
0x2e: {  	s3 =	simm.s32 @!p0 $0x1082;
	s9 =	sld [smem:$0x3FB3]  }
0x2f: {  	lr =	sadd.s32 s0, s3;
	s0 =	sld [smem:$0x3FAA]  }
0x30: {  	s3 =	sld [smem:$0x3FAD]  }
0x31: {  	[smem:$0x3FB6] =	sst s10  }
0x32: {  	s10 =	sld [smem:$0x3FB4];
	_ =	sdelay $0x3  }
0x33: {  	p0 =	seq.s32 s10, $0x1;
	s10 =	sld [smem:$0x3FB6];
	_ =	sdelay $0x3  }
0x34: {  	[smem:$0x3FB6] =	sst s10  }
0x35: {  	s10 =	sld [smem:$0x3FB5];
	_ =	sdelay $0x3  }
0x36: {  	p1 =	seq.s32 s10, $0x1;
	s10 =	sld [smem:$0x3FB6];
	_ =	sdelay $0x3  }
0x37: {  	[smem:$0x3FB6] =	sst s10  }
0x38: {  	s10 =	sld [smem:$0x3FB7]  }
0x39: {  	_ = 	snop;
	(pc) =	sbr.ind lr, $3  }
0x3a: {  	_ = 	snop  }
0x3b: {  	_ = 	snop  }
0x3c: {  	p2 =	seq.s32 s10, $0x1;
	s10 =	sld [smem:$0x3FB6]  }
0x3d: {  	_ =	shalt  }
0x3e: {  	_ =	shalt  }
0x3f: {  	_ =	shalt  }
0x40: {  	_ =	shalt  }
0x41: {  	_ =	shalt  }
0x42: {  	_ =	shalt  }
0x43: {  	_ =	shalt  }
0x44: {  	_ =	shalt  }
0x45: {  	_ =	shalt  }
0x46: {  	_ =	shalt  }
0x47: {  	_ =	shalt  }
0x48: {  	_ =	shalt  }
0x49: {  	_ =	shalt  }
0x4a: {  	_ =	shalt  }
0x4b: {  	_ =	shalt  }
0x4c: {  	_ =	shalt  }
0x4d: {  	_ =	shalt  }
0x4e: {  	_ =	shalt  }
0x4f: {  	_ =	shalt  }
0x50: {  	_ =	shalt  }
0x51: {  	_ =	shalt  }
0x52: {  	_ =	shalt  }
0x53: {  	_ =	shalt  }
0x54: {  	_ =	shalt  }
0x55: {  	_ =	shalt  }
0x56: {  	_ =	shalt  }
0x57: {  	_ =	shalt  }
0x58: {  	_ =	shalt  }
0x59: {  	_ =	shalt  }
0x5a: {  	_ =	shalt  }
0x5b: {  	_ =	shalt  }
0x5c: {  	_ =	shalt  }
0x5d: {  	_ =	shalt  }
0x5e: {  	_ =	shalt  }
0x5f: {  	_ =	shalt  }
0x60: {  	_ =	shalt  }
0x61: {  	_ =	shalt  }
0x62: {  	_ =	shalt  }
0x63: {  	_ =	shalt  }
0x64: {  	_ =	shalt  }
0x65: {  	_ =	shalt  }
0x66: {  	_ =	shalt  }
0x67: {  	_ =	shalt  }
0x68: {  	_ =	shalt  }
0x69: {  	_ =	shalt  }
0x6a: {  	_ =	shalt  }
0x6b: {  	_ =	shalt  }
0x6c: {  	_ =	shalt  }
0x6d: {  	_ =	shalt  }
0x6e: {  	_ =	shalt  }
0x6f: {  	_ =	shalt  }
0x70: {  	_ =	shalt  }
0x71: {  	_ =	shalt  }
0x72: {  	_ =	shalt  }
0x73: {  	_ =	shalt  }
0x74: {  	_ =	shalt  }
0x75: {  	_ =	shalt  }
0x76: {  	_ =	shalt  }
0x77: {  	_ =	shalt  }
0x78: {  	_ =	shalt  }
0x79: {  	_ =	shalt  }
0x7a: {  	_ =	shalt  }
0x7b: {  	_ =	shalt  }
0x7c: {  	_ =	shalt  }
0x7d: {  	_ =	shalt  }
0x7e: {  	_ =	shalt  }
0x7f: {  	_ =	shalt  }
0x80: {  	_ =	shalt  }
0x81: {  	_ =	shalt  }
0x82: {  	_ =	shalt  }
0x83: {  	_ =	shalt  }
0x84: {  	_ =	shalt  }
0x85: {  	_ =	shalt  }
0x86: {  	_ =	shalt  }
0x87: {  	_ =	shalt  }
.Lfunc_end0:
.L_simem_size_0:
called_computation_lowered:
.L_overlay_start_0:
0x88: {  	s2 =	sld [smem:$0x3FD9]  }
0x89: {  	s3 =	sld [smem:$0x3FFE];
	_ =	sdelay $0x1  }
0x8a: {  	s1 =	srdreg.scid  }
0x8b: {  	s0 =	sand.u32 $0x1, s1  }
0x8c: {  	s17 =	sshll.u32 s0, $0xA;
	s2 =	sadd.s32 s3, s2  }
0x8d: {  	s2 =	sadd.s32 s2, s17  }
0x8e: {  	[smem:$0x3FC2] =	sst s2  }
0x8f: {  	_ = 	snop  }
0x90: {  	s2 =	sld [smem:$0x3FC9]  }
0x91: {  	s18 =	sld [smem:$0x3FD0];
	(tm) =	ssettm $0x1  }
0x92: {  	s4 =	sld [smem:$0x3FFB];
	_ =	sdelay $0x3  }
0x93: {  	_ =	strace s4  }
0x94: {  	s4 =	sld [smem:$0x3FFC];
	_ =	sdelay $0x3  }
0x95: {  	_ =	strace s4  }
0x96: {  	s4 =	sld [smem:$0x3FFD];
	_ =	sdelay $0x3  }
0x97: {  	_ =	strace s4  }
0x98: {  	_ =	strace $0x8FFFFFFF  }
0x99: {  	s19 =	sld [smem:$0x3FDB];
	_ =	sdelay $0x1  }
0x9a: {  	s5 =	simm.s32 $_scs_section_size  }
0x9b: {  	s6 =	simm.s32 $_size__tile_overlayer_lowered;
	s7 =	simm.s32 $_tile_overlayer_lowered  }
0x9c: {  	s22 =	simm.s32 $0x1BFF;
	s21 =	sshll.u32 s7, $0x1;
	s4 =	sadd.s32 s5, s19  }
0x9d: {  	s8 =	simm.s32 $0x0;
	s20 =	sshll.u32 s6, $0x1;
	s6 =	sadd.s32 s21, s4  }
0x9e: {  	[timem:s8], [sflag:s22] =	dma.local [hbm:s6], s20  }
0x9f: {  	_ =	swait.ge [sflag:s22], s20  }
0xa0: {  	s5 =	ssub.s32 $0x0, s20;
	[sflag:s22] =	ssyncset.done $0x0  }
0xa1: {  	[sflag:s22] =	ssyncadd.s32 s5;
	_ =	sdelay $0x1  }
0xa2: {  	s23 =	simm.s32 $0x1B8B  }
0xa3: {  	_ =	swait.ge [sflag:s23], $0x1  }
0xa4: {  	[sflag:s23] =	ssyncset.done $0x0  }
0xa5: {  	s25 =	simm.s32 $0x1B8E;
	s24 =	sld [smem:$0x3FFE];
	[sflag:s23] =	ssyncadd.s32 $0xFFFFFFFF  }
0xa6: {  	s26 =	simm.s32 $execute0_lowered;
	[smem:$0x3FD2] =	sst s25  }
0xa7: {  	s6 =	sshll.u32 s26, $0x1;
	_ =	strace $0x80000046;
	[dreg:$0x1] =	wrdreg $0xFFFFFFFF  }
0xa8: {  	s28 =	simm.s32 $_size_execute0_lowered;
	s4 =	sadd.s32 s4, s6;
	[dreg:$0x0] =	wrdreg $0x0  }
0xa9: {  	s6 =	sshll.u32 s28, $0x1;
	[dreg:$0x2] =	wrdreg s4  }
0xaa: {  	[dreg:$0x3] =	wrdreg s6  }
0xab: {  	[dreg:$0x4] =	wrdreg $0xC0  }
0xac: {  	_ =	task [dreg:s8], $0x5FFFF  }
0xad: {  	[dreg:$0x1] =	wrdreg $0xFFFFFFFF  }
0xae: {  	[dreg:$0x0] =	wrdreg $0x60  }
0xaf: {  	[dreg:$0x2] =	wrdreg s2  }
0xb0: {  	[dreg:$0x3] =	wrdreg s24  }
0xb1: {  	[dreg:$0x4] =	wrdreg s18  }
0xb2: {  	[dreg:$0x5] =	wrdreg $0x144900  }
0xb3: {  	[dreg:$0x6] =	wrdreg $0x1E4900  }
0xb4: {  	[dreg:$0x7] =	wrdreg $0x9  }
0xb5: {  	_ =	task.clear_ibuf [dreg:s8], $0x8FFFF;
	_ =	strace $0x90000046  }
0xb6: {  	s29 =	simm.s32 $0x9;
	_ =	strace $0x80000048  }
0xb7: {  	_ =	swait.ge [sflag:s29], $0x1  }
0xb8: {  	[sflag:s29] =	ssyncadd.s32 $0xFFFFFFFF  }
0xb9: {  	_ =	strace $0x90000048  }
0xba: {  	_ =	sfence  }
0xbb: {  	s30 =	sld [smem:$0x0];
	_ =	sdelay $0x2  }
0xbc: {  	s31 =	sshll.u32 s1, $0xD;
	s1 =	sshrl.u32 s1, $0x2  }
0xbd: {  	s3 =	sand.u32 $0x4000, s31;
	s1 =	sadd.s32 s1, s30  }
0xbe: {  	s0 =	sor.u32 s3, s0;
	s1 =	sshll.u32 s1, $0x11  }
0xbf: {  	s0 =	sor.u32 s1, s0  }
0xc0: {  	s0 =	sadd.s32 $0x8F2B, s0  }
0xc1: {  	[sflag:s0] =	ssyncadd.remote.s32 $0x1  }
0xc2: {  	_ =	sfence.sel $0xFFFF  }
0xc3: {  	[dreg:$0x0] =	wrdreg $0xFFFFFFFF;
	(pc) =	sbr.abs _section_cstart, $3  }
0xc4: {  	[dreg:$0x1] =	wrdreg $0xFFFFFFFF  }
0xc5: {  	_ =	task.clear_ibuf [dreg:s8], $0x2FFFF;
	_ =	strace $0x9FFFFFFF  }
0xc6: {  	(tm) =	ssettm $0x7FFFFFFF  }
0xc7: {  	_ =	shalt  }
tec
execute0_lowered:
.L_overlay_start_1:
0x0: {  	(tag) =	ssettag $0x1  }
0x1: {  	s2 =	rddreg [dreg:$0x0]  }
0x2: {  	s4 =	rddreg [dreg:$0x1]  }
0x3: {  	s5 =	rddreg [dreg:$0x2]  }
0x4: {  	s1 =	rddreg [dreg:$0x3];
	s0 =	stileid.u32  }
0x5: {  	s18 =	rddreg [dreg:$0x4];
	s6 =	smul.u32 $0x4E20, s0  }
0x6: {  	s3 =	simm.s32 $0x0;
	s7 =	srdreg.scid;
	s8 =	smul.u32 $0x14000, s0  }
0x7: {  	s28 =	simm.s32 $0x9C40;
	s29 =	simm.s32 $0xBC40;
	s12 =	smul.u32 $0x280, s0  }
0x8: {  	s31 =	simm.s32 $0x1;
	s30 =	simm.s32 $0x2;
	s13 =	smul.u32 $0x271, s0  }
0x9: {  	[smem:$0x7FF] =	sst s3;
	s7 =	sand.u32 $0x1, s7;
	s23 =	smul.u32 $0x13880, s0  }
0xa: {  	s11 =	sadd.s32 $0x15600, s4;
	s17 =	smul.u32 $0x28000, s0;
	s19 =	sshll.u32 s0, $0x6  }
0xb: {  	p0 =	sne.s32 s0, $0x0;
	_ =	strace $0x80000047;
	s9 =	smul.u32 $0x2800, s7  }
0xc: {  	s10 =	sshll.u32 s7, $0x6;
	[dreg:$0x6] =	wrdreg s11;
	s24 =	ssub.s32 $0x2, s7  }
0xd: {  	s7 =	smul.u32 $0x13880, s7;
	[dreg:$0xc] =	wrdreg s19;
	s6 =	sshrl.u32 s6, $0x3  }
0xe: {  	s8 =	sor.u32 s10, s8;
	s14 =	sadd.s32 $0x80, s13;
	s15 =	sshrl.u32 s24, $0x1  }
0xf: {  	s11 =	sor.u32 s10, s23;
	s26 =	sshrl.u32 s17, $0x2;
	s20 =	sadd.s32 $0x100, s13  }
0x10: {  	s22 =	sadd.s32 $0x180, s13;
	s13 =	sadd.s32 $0x200, s13;
	s6 =	sadd.s32 s6, s4  }
0x11: {  	s8 =	sshrl.u32 s8, $0x3;
	s9 =	sadd.s32 s12, s9;
	s16 =	sshll.u32 s14, $0x7  }
0x12: {  	s11 =	sshrl.u32 s11, $0x3;
	s17 =	sadd.s32 s26, s1;
	s21 =	sshll.u32 s20, $0x7  }
0x13: {  	s23 =	sshll.u32 s22, $0x7;
	s8 =	sadd.s32 s8, s4;
	s9 =	sshrl.u32 s9, $0x3  }
0x14: {  	s16 =	sor.u32 s10, s16;
	s11 =	sadd.s32 s2, s11;
	[dreg:$0xb] =	wrdreg s17  }
0x15: {  	s17 =	sshll.u32 s13, $0x3;
	s4 =	sadd.s32 s9, s4;
	s9 =	ssub.s32 s24, s15  }
0x16: {  	[dreg:$0x7] =	wrdreg s11;
	s25 =	sshrl.u32 s16, $0x3;
	s16 =	sadd.s32 $0x1C00, s6  }
0x17: {  	s6 =	sadd.s32 $0xB840, s6;
	s24 =	sshll.u32 s13, $0x7;
	s15 =	sor.u32 s10, s23  }
0x18: {  	s8 =	sadd.s32 $0x16A00, s8;
	s13 =	simm.s32 $0x20;
	[dreg:$0x9] =	wrdreg s16  }
0x19: {  	s11 =	sadd.s32 s2, s25;
	[dreg:$0xa] =	wrdreg s6;
	s6 =	sor.u32 s10, s21  }
0x1a: {  	s10 =	sor.u32 s10, s24;
	s25 =	sor.u32 $0x1C07, s19;
	s15 =	sshrl.u32 s15, $0x3  }
0x1b: {  	s16 =	sshll.u32 s14, $0x3;
	[dreg:$0x11] =	wrdreg s8;
	s4 =	sadd.s32 $0x3EA00, s4  }
0x1c: {  	s19 =	simm.s32 $0x40;
	s8 =	simm.s32 $0x3;
	[dreg:$0x8] =	wrdreg s11  }
0x1d: {  	s14 =	simm.s32 $0x0;
	s11 =	sadd.s32 s5, s7;
	[dreg:$0xd] =	wrdreg s25  }
0x1e: {  	s6 =	sshrl.u32 s6, $0x3;
	s10 =	sshrl.u32 s10, $0x3;
	s26 =	sadd.s32 s2, s15  }
0x1f: {  	s15 =	smul.u32 $0x1388, s0;
	s5 =	sshll.u32 s20, $0x3;
	s7 =	sshll.u32 s22, $0x3  }
0x20: {  	[dreg:$0x12] =	wrdreg s4;
	s20 =	sadd.s32 s12, s18;
	s25 =	smax.u32 s9, $0x1  }
0x21: {  	s0 =	simm.s32 $0x9;
	s4 =	simm.s32 $0x6;
	s9 =	simm.s32 $0x4  }
0x22: {  	s12 =	simm.s32 $0x8;
	s6 =	sadd.s32 s2, s6;
	[dreg:$0xf] =	wrdreg s26  }
0x23: {  	s2 =	sadd.s32 s2, s10;
	[dreg:$0x13] =	wrdreg s25;
	s21 =	sadd.s32 s16, s11  }
.Ltmp0:
0x24: {  	s22 =	sadd.s32 s5, s11;
	s23 =	sadd.s32 s7, s11;
	(pc) =	sbr.rel .LBB2_1-.Ltmp0, $4  }
0x25: {  	s24 =	sadd.s32 s17, s11;
	s25 =	sshrl.u32 s20, $0x3;
	s5 =	simm.s32 $0x7  }
0x26: {  	v0 =	vlaneseq.u32;
	s7 =	simm.s32 $0xFC40;
	s10 =	simm.s32 $0x11C40;
	[dreg:$0xe] =	wrdreg s6  }
0x27: {  	v1 =	vimm.f32 $0.0e+00;
	v6 =	vimm.f32 $1.000000000e+00;
	v2 =	vor.u32 $0x10, v0;
	[dreg:$0x10] =	wrdreg s2;
	s26 =	sadd.s32 s15, s11;
	s2 =	simm.s32 $0x5  }
0x28: {  	v3 =	vor.u32 $0x20, v0;
	v4 =	vor.u32 $0x30, v0;
	v5 =	vor.u32 $0x40, v0;
	s6 =	simm.s32 $0xDC40;
	[dreg:$0x14] =	wrdreg s26;
	s26 =	simm.s32 $0x80  }
.LBB2_6:
0x29: {  	_ =	swait.ge [sflag:s4], $0x2000  }
0x2a: {  	[sflag:s4] =	ssyncset.done $0x0  }
0x2b: {  	[sflag:s4] =	ssyncadd.s32 $0xFFFFE000  }
0x2c: {  	_ =	swait.ge [sflag:s5], $0x2000  }
0x2d: {  	[sflag:s5] =	ssyncset.done $0x0  }
0x2e: {  	[sflag:s5] =	ssyncadd.s32 $0xFFFFE000  }
0x2f: {  	_ =	swait.ge [sflag:s12], $0x2000  }
0x30: {  	[sflag:s12] =	ssyncset.done $0x0  }
0x31: {  	s16 =	simm.s32 $0x4E00;
	[sflag:s12] =	ssyncadd.s32 $0xFFFFE000  }
0x32: {  	[tilespmem:s28], [sflag:$0x1] =	stream.indirect.gather [hbm4b:s11+s13], $0x40, s16, s13, $0xb8;
	[tilespmem:$0x1E710] =	vst v63  }
0x33: {  	_ =	swait.ge [sflag:s31], $0x800  }
0x34: {  	[sflag:s31] =	ssyncset.done $0x0  }
0x35: {  	s18 =	simm.s32 $0x9C20;
	[sflag:s31] =	ssyncadd.s32 $0xFFFFF800  }
0x36: {  	[spmem:s1] =	stream.indirect.scatter.add.f32 [tilespmem:s28], [sflag:$0x9], $0x40, s18, s13, $0xb8;
	[tilespmem:$0x1E710] =	vst v63  }
0x37: {  	_ =	swait.ge [sflag:s0], $0x800  }
0x38: {  	[sflag:s0] =	ssyncset.done $0x0  }
0x39: {  	[sflag:s0] =	ssyncadd.s32 $0xFFFFF800  }
0x3a: {  	v7 =	vld [tilespmem:$0x9C20];
	_ =	sdelay $0x7  }
0x3b: {  	[tilespmem:v7+s10+$0x0] =	vst.idx.add.f32.msk $0xffff, v6  }
0x3c: {  	v7 =	vld [tilespmem:$0x9C30];
	_ =	sdelay $0x7  }
0x3d: {  	[tilespmem:v7+s10+$0x0] =	vst.idx.add.f32.msk $0xffff, v6  }
0x3e: {  	s17 =	simm.s32 $0x14440;
	s16 =	simm.s32 $0x50;
	[bflag:$0x0] =	sbarrier.arrive $0xFFFF  }
0x3f: {  	[spmem:s20] =	stream.indirect.scatter.add.f32 [tilespmem:s10], [sflag:$0x9], $0x80, s17, s16, $0xb8;
	[tilespmem:$0x1E710] =	vst v63  }
0x40: {  	_ =	swait.ge [sflag:s0], $0x2800  }
0x41: {  	[sflag:s0] =	ssyncset.done $0x0  }
0x42: {  	[sflag:s0] =	ssyncadd.s32 $0xFFFFD800  }
0x43: {  	[bflag:$0x0] =	sbarrier.arrive $0xFFFF  }
0x44: {  	s18 =	smov.u32 s20;
	s20 =	rddreg [dreg:$0xc]  }
0x45: {  	s17 =	rddreg [dreg:$0x11];
	s16 =	sor.u32 $0x1C09, s20;
	s20 =	simm.s32 $0x10  }
0x46: {  	[hbm:s17@s20], [sflag:s16] =	dma.strided [spmem:s15@s12], $0x1400, s31, $0x8   }
0x47: {  	_ =	swait.ge [sflag:s0], $0x1400  }
0x48: {  	[sflag:s0] =	ssyncset.done $0x0  }
0x49: {  	s17 =	rddreg [dreg:$0x12];
	[sflag:s0] =	ssyncadd.s32 $0xFFFFEC00  }
0x4a: {  	[hbm:s17], [sflag:s16] =	dma.local [spmem:s25], $0x50  }
0x4b: {  	_ =	swait.ge [sflag:s0], $0x50  }
0x4c: {  	s14 =	sadd.s32 $0x1, s14;
	s20 =	rddreg [dreg:$0x13]  }
0x4d: {  	p1 =	sne.s32 s14, s20  }
.Ltmp1:
0x4e: {  	_ = 	snop;
	(pc) =	sbr.rel @!p1 .LBB2_7-.Ltmp1, $3  }
0x4f: {  	_ =	sdelay $0x1  }
0x50: {  	[sflag:s0] =	ssyncset.done $0x0  }
0x51: {  	[sflag:s0] =	ssyncadd.s32 $0xFFFFFFB0  }
.LBB2_1:
0x52: {  	s15 =	rddreg [dreg:$0x7]  }
0x53: {  	s16 =	rddreg [dreg:$0x8]  }
0x54: {  	[tilespmem:s28], [sflag:$0x1] =	stream.strided.gather [hbm4b:s15+s19], $0x2000, s26, s19, $0x38;
	[tilespmem:$0x1E710] =	vst v63  }
0x55: {  	s17 =	rddreg [dreg:$0x9]  }
0x56: {  	[tilespmem:s29], [sflag:$0x2] =	stream.strided.gather [hbm4b:s16+s19], $0x2000, s26, s19, $0x38;
	[tilespmem:$0x1E710] =	vst v63  }
0x57: {  	s20 =	rddreg [dreg:$0xa]  }
0x58: {  	[tilespmem:s3], [sflag:$0x5] =	stream.linear.gather [hbm4b:s17+s3], $0x4E20, $0x38;
	[tilespmem:$0x1E710] =	vst v63  }
0x59: {  	s17 =	rddreg [dreg:$0xb]  }
0x5a: {  	s16 =	simm.s32 $0x4E20;
	s15 =	sshrl.u32 s17, $0x3;
	s17 =	rddreg [dreg:$0xd]  }
0x5b: {  	[tilespmem:s16], [sflag:$0x6] =	stream.linear.gather [hbm4b:s20+s3], $0x4E20, $0x38;
	[tilespmem:$0x1E710] =	vst v63  }
0x5c: {  	s20 =	rddreg [dreg:$0x6]  }
0x5d: {  	[spmem:s15], [sflag:s17] =	dma.local [hbm:s20], $0x1400  }
0x5e: {  	s16 =	simm.s32 $0x0;
	s17 =	simm.s32 $0x200  }
.LBB2_2:
0x5f: {  	p1 =	sne.s32 s17, $0x9E00;
	[tilespmem:s16+$0x11CB0] =	vst v1  }
0x60: {  	[tilespmem:s16+$0x11C40] =	vst v1  }
0x61: {  	[tilespmem:s16+$0x11C50] =	vst v1  }
.Ltmp2:
0x62: {  	[tilespmem:s16+$0x11C60] =	vst v1;
	(pc) =	sbr.rel @p1 .LBB2_2-.Ltmp2, $4  }
0x63: {  	[tilespmem:s16+$0x11C70] =	vst v1  }
0x64: {  	[tilespmem:s16+$0x11C80] =	vst v1  }
0x65: {  	[tilespmem:s16+$0x11C90] =	vst v1  }
0x66: {  	[tilespmem:s16+$0x11CA0] =	vst v1;
	s16 =	sshra.s32 s17, $0x2;
	s17 =	sadd.s32 $0x200, s17  }
0x67: {  	[tilespmem:s16+$0x11CB0] =	vst v1  }
0x68: {  	[tilespmem:s16+$0x11C40] =	vst v1  }
0x69: {  	[tilespmem:s16+$0x11C50] =	vst v1  }
0x6a: {  	[tilespmem:s16+$0x11C60] =	vst v1  }
0x6b: {  	[tilespmem:s16+$0x11C70] =	vst v1  }
0x6c: {  	[tilespmem:s16+$0x11C80] =	vst v1  }
0x6d: {  	[tilespmem:s16+$0x11C90] =	vst v1  }
0x6e: {  	[tilespmem:s16+$0x11CA0] =	vst v1  }
0x6f: {  	[tilespmem:$0x14440] =	vst v0  }
0x70: {  	[tilespmem:$0x14450] =	vst v2  }
0x71: {  	[tilespmem:$0x14460] =	vst v3  }
0x72: {  	[tilespmem:$0x14470] =	vst v4  }
0x73: {  	[tilespmem:$0x14480] =	vst v5  }
0x74: {  	_ =	swait.ge [sflag:s31], $0x2000  }
0x75: {  	[sflag:s31] =	ssyncset.done $0x0  }
0x76: {  	s20 =	rddreg [dreg:$0x14];
	[sflag:s31] =	ssyncadd.s32 $0xFFFFE000  }
0x77: {  	[hbm4b:s20+s3] =	stream.linear.scatter [tilespmem:s28], [sflag:$0x9], $0x2000, $0x38;
	[tilespmem:$0x1E710] =	vst v63  }
0x78: {  	_ =	swait.ge [sflag:s0], $0x2000  }
0x79: {  	[sflag:s0] =	ssyncset.done $0x0  }
0x7a: {  	s17 =	rddreg [dreg:$0xe];
	[sflag:s0] =	ssyncadd.s32 $0xFFFFE000  }
0x7b: {  	[tilespmem:s28], [sflag:$0x1] =	stream.strided.gather [hbm4b:s17+s19], $0x2000, s26, s19, $0x38;
	[tilespmem:$0x1E710] =	vst v63  }
0x7c: {  	_ =	swait.ge [sflag:s30], $0x2000  }
0x7d: {  	[sflag:s30] =	ssyncset.done $0x0  }
0x7e: {  	[sflag:s30] =	ssyncadd.s32 $0xFFFFE000  }
0x7f: {  	[hbm4b:s21+s3] =	stream.linear.scatter [tilespmem:s29], [sflag:$0x9], $0x2000, $0x38;
	[tilespmem:$0x1E710] =	vst v63  }
0x80: {  	_ =	swait.ge [sflag:s0], $0x2000  }
0x81: {  	[sflag:s0] =	ssyncset.done $0x0  }
0x82: {  	s20 =	rddreg [dreg:$0xf];
	[sflag:s0] =	ssyncadd.s32 $0xFFFFE000  }
0x83: {  	[tilespmem:s29], [sflag:$0x2] =	stream.strided.gather [hbm4b:s20+s19], $0x2000, s26, s19, $0x38;
	[tilespmem:$0x1E710] =	vst v63  }
0x84: {  	_ =	swait.ge [sflag:s31], $0x2000  }
0x85: {  	[sflag:s31] =	ssyncset.done $0x0  }
0x86: {  	[sflag:s31] =	ssyncadd.s32 $0xFFFFE000  }
0x87: {  	[hbm4b:s22+s3] =	stream.linear.scatter [tilespmem:s28], [sflag:$0x9], $0x2000, $0x38;
	[tilespmem:$0x1E710] =	vst v63  }
0x88: {  	_ =	swait.ge [sflag:s0], $0x2000  }
0x89: {  	[sflag:s0] =	ssyncset.done $0x0  }
0x8a: {  	[sflag:s0] =	ssyncadd.s32 $0xFFFFE000  }
0x8b: {  	_ =	swait.ge [sflag:s30], $0x2000  }
0x8c: {  	[sflag:s30] =	ssyncset.done $0x0  }
0x8d: {  	[sflag:s30] =	ssyncadd.s32 $0xFFFFE000  }
0x8e: {  	[hbm4b:s23+s3] =	stream.linear.scatter [tilespmem:s29], [sflag:$0x9], $0x2000, $0x38;
	[tilespmem:$0x1E710] =	vst v63  }
0x8f: {  	_ =	swait.ge [sflag:s0], $0x2000  }
0x90: {  	[sflag:s0] =	ssyncset.done $0x0  }
0x91: {  	s17 =	rddreg [dreg:$0x10];
	[sflag:s0] =	ssyncadd.s32 $0xFFFFE000  }
0x92: {  	[tilespmem:s28], [sflag:$0x9] =	stream.strided.gather [hbm4b:s17+s19], $0x1C40, s26, s19, $0x38;
	[tilespmem:$0x1E710] =	vst v63  }
0x93: {  	_ =	swait.ge [sflag:s0], $0x1C40  }
0x94: {  	[sflag:s0] =	ssyncset.done $0x0  }
0x95: {  	[sflag:s0] =	ssyncadd.s32 $0xFFFFE3C0  }
0x96: {  	[hbm4b:s24+s3] =	stream.linear.scatter [tilespmem:s28], [sflag:$0x9], $0x1C40, $0x38;
	[tilespmem:$0x1E710] =	vst v63  }
0x97: {  	_ =	swait.ge [sflag:s0], $0x1C40  }
0x98: {  	[sflag:s0] =	ssyncset.done $0x0  }
0x99: {  	[sflag:s0] =	ssyncadd.s32 $0xFFFFE3C0  }
0x9a: {  	_ =	swait.ge [sflag:s2], $0x4E20  }
0x9b: {  	[sflag:s2] =	ssyncset.done $0x0  }
0x9c: {  	[sflag:s2] =	ssyncadd.s32 $0xFFFFB1E0  }
0x9d: {  	_ =	swait.ge [sflag:s4], $0x4E20  }
0x9e: {  	[sflag:s4] =	ssyncset.done $0x0  }
0x9f: {  	[sflag:s4] =	ssyncadd.s32 $0xFFFFB1E0  }
0xa0: {  	_ =	swait.ge [sflag:s5], $0x1400  }
0xa1: {  	[sflag:s5] =	ssyncset.done $0x0  }
0xa2: {  	s16 =	simm.s32 @!p0 $0x11C40;
	[sflag:s5] =	ssyncadd.s32 $0xFFFFEC00  }
0xa3: {  	[spmem:s18] =	stream.linear.scatter @!p0 [tilespmem:s16], [sflag:$0x9], $0x2800, $0x38;
	[tilespmem:$0x1E710] =	vst v63  }
0xa4: {  	s16 =	simm.s32 @!p0 $0x9  }
0xa5: {  	_ =	swait.ge @!p0 [sflag:s16], $0x2800  }
0xa6: {  	[sflag:s16] =	ssyncset.done @!p0 $0x0  }
0xa7: {  	[sflag:s16] =	ssyncadd.s32 @!p0 $0xFFFFD800  }
0xa8: {  	s16 =	simm.s32 $0x0;
	[bflag:$0x0] =	sbarrier.arrive $0xFFFF  }
0xa9: {  	[tilespmem:s28], [sflag:$0x1] =	stream.indirect.gather [hbm4b:s11+s26], $0x40, s16, s26, $0xb8;
	[tilespmem:$0x1E710] =	vst v63  }
0xaa: {  	_ = 	snop  }
0xab: {  	[tilespmem:s29], [sflag:$0x2] =	stream.indirect.gather [hbm4b:s11+s26], $0x40, s26, s26, $0xb8;
	[tilespmem:$0x1E710] =	vst v63  }
0xac: {  	s17 =	simm.s32 $0x100  }
0xad: {  	[tilespmem:s6], [sflag:$0x3] =	stream.indirect.gather [hbm4b:s11+s26], $0x40, s17, s26, $0xb8;
	[tilespmem:$0x1E710] =	vst v63  }
0xae: {  	s20 =	smov.u32 s18;
	s18 =	simm.s32 $0x180  }
0xaf: {  	[tilespmem:s7], [sflag:$0x4] =	stream.indirect.gather [hbm4b:s11+s26], $0x40, s18, s26, $0xb8;
	[tilespmem:$0x1E710] =	vst v63  }
.LBB2_4:
0xb0: {  	_ =	swait.ge [sflag:s31], $0x2000  }
0xb1: {  	s17 =	sshra.s32 s16, $0x2;
	[sflag:s31] =	ssyncset.done $0x0  }
0xb2: {  	s18 =	sadd.s32 $0x4E20, s17;
	[sflag:s31] =	ssyncadd.s32 $0xFFFFE000  }
0xb3: {  	[spmem:s1] =	stream.indirect.scatter.add.f32 [tilespmem:s28], [sflag:$0x5], $0x40, s18, s26, $0xb8;
	[tilespmem:$0x1E710] =	vst v63  }
0xb4: {  	_ =	swait.ge [sflag:s30], $0x2000  }
0xb5: {  	[sflag:s30] =	ssyncset.done $0x0  }
0xb6: {  	s18 =	sadd.s32 $0x4EA0, s17;
	[sflag:s30] =	ssyncadd.s32 $0xFFFFE000  }
0xb7: {  	[spmem:s1] =	stream.indirect.scatter.add.f32 [tilespmem:s29], [sflag:$0x6], $0x40, s18, s26, $0xb8;
	[tilespmem:$0x1E710] =	vst v63  }
0xb8: {  	_ =	swait.ge [sflag:s8], $0x2000  }
0xb9: {  	[sflag:s8] =	ssyncset.done $0x0  }
0xba: {  	s18 =	sadd.s32 $0x4F20, s17;
	[sflag:s8] =	ssyncadd.s32 $0xFFFFE000  }
0xbb: {  	[spmem:s1] =	stream.indirect.scatter.add.f32 [tilespmem:s6], [sflag:$0x7], $0x40, s18, s26, $0xb8;
	[tilespmem:$0x1E710] =	vst v63  }
0xbc: {  	_ =	swait.ge [sflag:s9], $0x2000  }
0xbd: {  	[sflag:s9] =	ssyncset.done $0x0  }
0xbe: {  	s18 =	sadd.s32 $0x4FA0, s17;
	[sflag:s9] =	ssyncadd.s32 $0xFFFFE000  }
0xbf: {  	[spmem:s1] =	stream.indirect.scatter.add.f32 [tilespmem:s7], [sflag:$0x8], $0x40, s18, s26, $0xb8;
	[tilespmem:$0x1E710] =	vst v63  }
0xc0: {  	v7 =	vld [tilespmem:s17+$0x4E20];
	_ =	sdelay $0x7  }
0xc1: {  	[tilespmem:v7+s10+$0x0] =	vst.idx.add.f32.msk $0xffff, v6  }
0xc2: {  	v7 =	vld [tilespmem:s17+$0x4E30];
	_ =	sdelay $0x7  }
0xc3: {  	[tilespmem:v7+s10+$0x0] =	vst.idx.add.f32.msk $0xffff, v6  }
0xc4: {  	v7 =	vld [tilespmem:s17+$0x4E40];
	_ =	sdelay $0x7  }
0xc5: {  	[tilespmem:v7+s10+$0x0] =	vst.idx.add.f32.msk $0xffff, v6  }
0xc6: {  	v7 =	vld [tilespmem:s17+$0x4E50];
	_ =	sdelay $0x7  }
0xc7: {  	[tilespmem:v7+s10+$0x0] =	vst.idx.add.f32.msk $0xffff, v6  }
0xc8: {  	v7 =	vld [tilespmem:s17+$0x4E60];
	_ =	sdelay $0x7  }
0xc9: {  	[tilespmem:v7+s10+$0x0] =	vst.idx.add.f32.msk $0xffff, v6  }
0xca: {  	v7 =	vld [tilespmem:s17+$0x4E70];
	_ =	sdelay $0x7  }
0xcb: {  	[tilespmem:v7+s10+$0x0] =	vst.idx.add.f32.msk $0xffff, v6  }
0xcc: {  	v7 =	vld [tilespmem:s17+$0x4E80];
	_ =	sdelay $0x7  }
0xcd: {  	[tilespmem:v7+s10+$0x0] =	vst.idx.add.f32.msk $0xffff, v6  }
0xce: {  	v7 =	vld [tilespmem:s17+$0x4E90];
	_ =	sdelay $0x7  }
0xcf: {  	[tilespmem:v7+s10+$0x0] =	vst.idx.add.f32.msk $0xffff, v6  }
0xd0: {  	v7 =	vld [tilespmem:s17+$0x4EA0];
	_ =	sdelay $0x7  }
0xd1: {  	[tilespmem:v7+s10+$0x0] =	vst.idx.add.f32.msk $0xffff, v6  }
0xd2: {  	v7 =	vld [tilespmem:s17+$0x4EB0];
	_ =	sdelay $0x7  }
0xd3: {  	[tilespmem:v7+s10+$0x0] =	vst.idx.add.f32.msk $0xffff, v6  }
0xd4: {  	v7 =	vld [tilespmem:s17+$0x4EC0];
	_ =	sdelay $0x7  }
0xd5: {  	[tilespmem:v7+s10+$0x0] =	vst.idx.add.f32.msk $0xffff, v6  }
0xd6: {  	v7 =	vld [tilespmem:s17+$0x4ED0];
	_ =	sdelay $0x7  }
0xd7: {  	[tilespmem:v7+s10+$0x0] =	vst.idx.add.f32.msk $0xffff, v6  }
0xd8: {  	v7 =	vld [tilespmem:s17+$0x4EE0];
	_ =	sdelay $0x7  }
0xd9: {  	[tilespmem:v7+s10+$0x0] =	vst.idx.add.f32.msk $0xffff, v6  }
0xda: {  	v7 =	vld [tilespmem:s17+$0x4EF0];
	_ =	sdelay $0x7  }
0xdb: {  	[tilespmem:v7+s10+$0x0] =	vst.idx.add.f32.msk $0xffff, v6  }
0xdc: {  	v7 =	vld [tilespmem:s17+$0x4F00];
	_ =	sdelay $0x7  }
0xdd: {  	[tilespmem:v7+s10+$0x0] =	vst.idx.add.f32.msk $0xffff, v6  }
0xde: {  	v7 =	vld [tilespmem:s17+$0x4F10];
	_ =	sdelay $0x7  }
0xdf: {  	[tilespmem:v7+s10+$0x0] =	vst.idx.add.f32.msk $0xffff, v6  }
0xe0: {  	v7 =	vld [tilespmem:s17+$0x4F20];
	_ =	sdelay $0x7  }
0xe1: {  	[tilespmem:v7+s10+$0x0] =	vst.idx.add.f32.msk $0xffff, v6  }
0xe2: {  	v7 =	vld [tilespmem:s17+$0x4F30];
	_ =	sdelay $0x7  }
0xe3: {  	[tilespmem:v7+s10+$0x0] =	vst.idx.add.f32.msk $0xffff, v6  }
0xe4: {  	v7 =	vld [tilespmem:s17+$0x4F40];
	_ =	sdelay $0x7  }
0xe5: {  	[tilespmem:v7+s10+$0x0] =	vst.idx.add.f32.msk $0xffff, v6  }
0xe6: {  	v7 =	vld [tilespmem:s17+$0x4F50];
	_ =	sdelay $0x7  }
0xe7: {  	[tilespmem:v7+s10+$0x0] =	vst.idx.add.f32.msk $0xffff, v6  }
0xe8: {  	v7 =	vld [tilespmem:s17+$0x4F60];
	_ =	sdelay $0x7  }
0xe9: {  	[tilespmem:v7+s10+$0x0] =	vst.idx.add.f32.msk $0xffff, v6  }
0xea: {  	v7 =	vld [tilespmem:s17+$0x4F70];
	_ =	sdelay $0x7  }
0xeb: {  	[tilespmem:v7+s10+$0x0] =	vst.idx.add.f32.msk $0xffff, v6  }
0xec: {  	v7 =	vld [tilespmem:s17+$0x4F80];
	_ =	sdelay $0x7  }
0xed: {  	[tilespmem:v7+s10+$0x0] =	vst.idx.add.f32.msk $0xffff, v6  }
0xee: {  	v7 =	vld [tilespmem:s17+$0x4F90];
	_ =	sdelay $0x7  }
0xef: {  	[tilespmem:v7+s10+$0x0] =	vst.idx.add.f32.msk $0xffff, v6  }
0xf0: {  	v7 =	vld [tilespmem:s17+$0x4FA0];
	_ =	sdelay $0x7  }
0xf1: {  	[tilespmem:v7+s10+$0x0] =	vst.idx.add.f32.msk $0xffff, v6  }
0xf2: {  	v7 =	vld [tilespmem:s17+$0x4FB0];
	_ =	sdelay $0x7  }
0xf3: {  	[tilespmem:v7+s10+$0x0] =	vst.idx.add.f32.msk $0xffff, v6  }
0xf4: {  	v7 =	vld [tilespmem:s17+$0x4FC0];
	_ =	sdelay $0x7  }
0xf5: {  	[tilespmem:v7+s10+$0x0] =	vst.idx.add.f32.msk $0xffff, v6  }
0xf6: {  	v7 =	vld [tilespmem:s17+$0x4FD0];
	_ =	sdelay $0x7  }
0xf7: {  	[tilespmem:v7+s10+$0x0] =	vst.idx.add.f32.msk $0xffff, v6  }
0xf8: {  	v7 =	vld [tilespmem:s17+$0x4FE0];
	_ =	sdelay $0x7  }
0xf9: {  	[tilespmem:v7+s10+$0x0] =	vst.idx.add.f32.msk $0xffff, v6  }
0xfa: {  	v7 =	vld [tilespmem:s17+$0x4FF0];
	_ =	sdelay $0x7  }
0xfb: {  	[tilespmem:v7+s10+$0x0] =	vst.idx.add.f32.msk $0xffff, v6  }
0xfc: {  	v7 =	vld [tilespmem:s17+$0x5000];
	_ =	sdelay $0x7  }
0xfd: {  	[tilespmem:v7+s10+$0x0] =	vst.idx.add.f32.msk $0xffff, v6  }
0xfe: {  	v7 =	vld [tilespmem:s17+$0x5010];
	_ =	sdelay $0x5  }
0xff: {  	p1 =	seq.s32 s16, $0x13000  }
.Ltmp3:
0x100: {  	_ = 	snop;
	(pc) =	sbr.rel @p1 .LBB2_6-.Ltmp3, $4  }
0x101: {  	[tilespmem:v7+s10+$0x0] =	vst.idx.add.f32.msk $0xffff, v6  }
0x102: {  	_ =	swait.ge [sflag:s2], $0x2000  }
0x103: {  	[sflag:s2] =	ssyncset.done $0x0  }
0x104: {  	[sflag:s2] =	ssyncadd.s32 $0xFFFFE000  }
0x105: {  	s18 =	sadd.s32 $0x200, s17  }
0x106: {  	[tilespmem:s28], [sflag:$0x1] =	stream.indirect.gather [hbm4b:s11+s26], $0x40, s18, s26, $0xb8;
	[tilespmem:$0x1E710] =	vst v63  }
0x107: {  	_ =	swait.ge [sflag:s4], $0x2000  }
0x108: {  	[sflag:s4] =	ssyncset.done $0x0  }
0x109: {  	s18 =	sadd.s32 $0x280, s17;
	[sflag:s4] =	ssyncadd.s32 $0xFFFFE000  }
0x10a: {  	[tilespmem:s29], [sflag:$0x2] =	stream.indirect.gather [hbm4b:s11+s26], $0x40, s18, s26, $0xb8;
	[tilespmem:$0x1E710] =	vst v63  }
0x10b: {  	_ =	swait.ge [sflag:s5], $0x2000  }
0x10c: {  	[sflag:s5] =	ssyncset.done $0x0  }
0x10d: {  	s18 =	sadd.s32 $0x300, s17;
	[sflag:s5] =	ssyncadd.s32 $0xFFFFE000  }
0x10e: {  	[tilespmem:s6], [sflag:$0x3] =	stream.indirect.gather [hbm4b:s11+s26], $0x40, s18, s26, $0xb8;
	[tilespmem:$0x1E710] =	vst v63  }
.Ltmp4:
0x10f: {  	_ = 	snop;
	(pc) =	sbr.rel .LBB2_4-.Ltmp4, $4  }
0x110: {  	_ =	swait.ge [sflag:s12], $0x2000  }
0x111: {  	[sflag:s12] =	ssyncset.done $0x0  }
0x112: {  	s16 =	sadd.s32 $0x800, s16;
	s18 =	sadd.s32 $0x380, s17;
	[sflag:s12] =	ssyncadd.s32 $0xFFFFE000  }
0x113: {  	[tilespmem:s7], [sflag:$0x4] =	stream.indirect.gather [hbm4b:s11+s26], $0x40, s18, s26, $0xb8;
	[tilespmem:$0x1E710] =	vst v63  }
.LBB2_7:
0x114: {  	_ =	sfence.sel $0x180000  }
0x115: {  	[bflag:$0x0] =	sbarrier.arrive $0xFFFF  }
0x116: {  	_ =	strace $0x90000047  }
0x117: {  	[bflag:$0x2] =	sbarrier.arrive $0xFFFF  }
0x118: {  	s0 =	rddreg [dreg:$0x5]  }
0x119: {  	s0 =	sadd.s32 @!p0 $0x100000, s0  }
0x11a: {  	[sflag:s0] =	ssyncadd.tile.s32 @!p0 $0x1;
	_ =	shalt  }
.Lfunc_end2:
_tile_overlayer_lowered:
.L_overlay_start_2:
0x11b: {  	(tag) =	ssettag $0x2  }
0x11c: {  	s0 =	rddreg [dreg:$0x0];
	s2 =	stileid.u32  }
0x11d: {  	s1 =	rddreg [dreg:$0x1];
	p0 =	sne.s32 s2, $0x0  }
0x11e: {  	s3 =	rddreg [dreg:$0x2];
	[bflag:$0x3] =	sbarrier.arrive $0xFFFF;
	s2 =	simm.s32 @!p0 $0x1C09  }
0x11f: {  	[timem:s3], [sflag:s2] =	dma.local @!p0 [hbm:s0], s1  }
0x120: {  	s0 =	simm.s32 @!p0 $0x9  }
0x121: {  	_ =	swait.ge @!p0 [sflag:s0], s1  }
0x122: {  	s1 =	ssub.s32 @!p0 $0x0, s1;
	[sflag:s0] =	ssyncset.done @!p0 $0x0  }
0x123: {  	[sflag:s0] =	ssyncadd.s32 @!p0 s1  }
0x124: {  	[bflag:$0x3] =	sbarrier.arrive $0xFFFF  }
0x125: {  	_ =	shalt  }

</sc_bundles>
